<compile_context>
chip_gen: v7x
topology: tpu7x:2x2x1
jax: 0.10.2.dev20260603
libtpu: 0.0.44.dev20260713+nightly
codegen_flags: <defaults>
</compile_context>

<pallas_src>
import functools

import jax
import jax.numpy as jnp
from jax import lax
from jax.experimental import pallas as pl
from jax.experimental.pallas import tpu as pltpu
from jax.experimental.pallas import tpu_sc as plsc

_B, _H, _W, _C = 8, 224, 224, 96
_N = _B * _H * _W
_NW = 32
_PT = _N // _NW
_PIX = 32
_NB = _PT // _PIX
_G = _PIX // 16
_R = 4 * _PIX
_CU = 8


@functools.partial(
    pl.kernel,
    out_type=jax.ShapeDtypeStruct((_N, _C), jnp.float32),
    mesh=plsc.VectorSubcoreMesh(core_axis_name="c", subcore_axis_name="s"),
    compiler_params=pltpu.CompilerParams(
        needs_layout_passes=False, use_tc_tiling_on_sc=False),
    scratch_types=[
        pltpu.VMEM((_PT,), jnp.float32),
        pltpu.VMEM((_PT,), jnp.float32),
        pltpu.VMEM((2, _R), jnp.int32),
        pltpu.VMEM((2, _R), jnp.float32),
        pltpu.VMEM((2 * _R, _C), jnp.float32),
        pltpu.VMEM((2 * _PIX, _C), jnp.float32),
        pltpu.SemaphoreType.DMA,
        pltpu.SemaphoreType.DMA,
        pltpu.SemaphoreType.DMA,
        pltpu.SemaphoreType.DMA,
    ],
)
def _sc_bilinear(img_hbm, xs_hbm, ys_hbm, out_hbm,
                 xs_v, ys_v, idx_v, w_v, buf_v, out_v,
                 gsem0, gsem1, osem0, osem1):
    gsem = (gsem0, gsem1)
    osem = (osem0, osem1)
    wid = lax.axis_index("c") * 16 + lax.axis_index("s")
    tile_base = wid * _PT
    img_base = (wid // 4) * (_H * _W)

    pltpu.sync_copy(xs_hbm.at[pl.ds(tile_base, _PT)], xs_v)
    pltpu.sync_copy(ys_hbm.at[pl.ds(tile_base, _PT)], ys_v)

    iota = lax.iota(jnp.int32, 16)

    def prep(k, s):
        for g in range(_G):
            off = g * 64
            xv = xs_v[pl.ds(k * _PIX + g * 16, 16)]
            yv = ys_v[pl.ds(k * _PIX + g * 16, 16)]
            x = (0.5 * (xv + 1.0)) * jnp.float32(_W)
            y = (0.5 * (yv + 1.0)) * jnp.float32(_H)
            x0r = x.astype(jnp.int32)
            y0r = y.astype(jnp.int32)
            x0 = jnp.clip(x0r, 0, _W - 1)
            x1 = jnp.clip(x0r + 1, 0, _W - 1)
            y0 = jnp.clip(y0r, 0, _H - 1)
            y1 = jnp.clip(y0r + 1, 0, _H - 1)
            x0f = x0.astype(jnp.float32)
            x1f = x1.astype(jnp.float32)
            y0f = y0.astype(jnp.float32)
            y1f = y1.astype(jnp.float32)
            ra = img_base + y0 * _W + x0
            rb = img_base + y1 * _W + x0
            dx = x1 - x0
            idx_v[s, pl.ds(off, 16)] = ra
            idx_v[s, pl.ds(off + 16, 16)] = rb
            idx_v[s, pl.ds(off + 32, 16)] = ra + dx
            idx_v[s, pl.ds(off + 48, 16)] = rb + dx
            w_v[s, pl.ds(off, 16)] = (x1f - x) * (y1f - y)
            w_v[s, pl.ds(off + 16, 16)] = (x1f - x) * (y - y0f)
            w_v[s, pl.ds(off + 32, 16)] = (x - x0f) * (y1f - y)
            w_v[s, pl.ds(off + 48, 16)] = (x - x0f) * (y - y0f)
        pltpu.async_copy(img_hbm.at[idx_v.at[s]],
                         buf_v.at[pl.ds(s * _R, _R)], gsem[s])

    def combine(s):
        srowv = jnp.full((16,), s, jnp.int32)

        def pix(p, acc):
            g64 = (p // 16) * 64 + (p % 16)
            g64v = jnp.full((16,), g64, jnp.int32)
            wa = plsc.load_gather(w_v, [srowv, g64v])
            wb = plsc.load_gather(w_v, [srowv, g64v + 16])
            wc = plsc.load_gather(w_v, [srowv, g64v + 32])
            wd = plsc.load_gather(w_v, [srowv, g64v + 48])
            row = s * _R + g64
            for cv in range(_C // 16):
                sl = pl.ds(cv * 16, 16)
                pa = buf_v[row, sl]
                pb = buf_v[row + 16, sl]
                pc = buf_v[row + 32, sl]
                pd = buf_v[row + 48, sl]
                out_v[s * _PIX + p, sl] = wa * pa + wb * pb + wc * pc + wd * pd
            return acc

        lax.fori_loop(0, _PIX, pix, 0)

    prep(0, 0)

    def body2(k2, carry):
        for s in range(2):
            k = 2 * k2 + s

            @pl.when(k + 1 < _NB)
            def _():
                prep(k + 1, s ^ 1)

            pltpu.make_async_copy(
                img_hbm.at[idx_v.at[s]],
                buf_v.at[pl.ds(s * _R, _R)], gsem[s]).wait()

            @pl.when(k >= 2)
            def _():
                pltpu.make_async_copy(
                    out_v.at[pl.ds(s * _PIX, _PIX)],
                    out_hbm.at[pl.ds(tile_base, _PIX)], osem[s]).wait()

            combine(s)
            pltpu.async_copy(
                out_v.at[pl.ds(s * _PIX, _PIX)],
                out_hbm.at[pl.ds(tile_base + k * _PIX, _PIX)], osem[s])
        return carry

    lax.fori_loop(0, _NB // 2, body2, 0)

    for s in range(2):
        pltpu.make_async_copy(
            out_v.at[pl.ds(s * _PIX, _PIX)],
            out_hbm.at[pl.ds(tile_base, _PIX)], osem[s]).wait()


def kernel(X, transformation):
    Bx, H, W, C = X.shape
    Hout, Wout = 224, 224
    flat_out = Hout * Wout
    x_lin = jnp.linspace(-1.0, 1.0, Wout)
    y_lin = jnp.linspace(-1.0, 1.0, Hout)
    xg, yg = jnp.meshgrid(x_lin, y_lin)
    grid = jnp.concatenate([xg.ravel(), yg.ravel(), jnp.ones(flat_out)], axis=0)
    grid = grid.reshape(3, flat_out).astype(jnp.float32)
    T = transformation.reshape(Bx, 2, 3)
    sampled = jnp.einsum('bij,jk->bik', T, grid)
    xs = sampled[:, 0, :].reshape(-1)
    ys = sampled[:, 1, :].reshape(-1)
    img = X.reshape(-1, C)
    out = _sc_bilinear(img, xs, ys)
    return out.reshape(Bx, Hout, Wout, C)

# --- scband reference (transcript-rebuilt; emitter-appended) ---
"""Pipeline reference for scband-affine-transform-layer-90159953478192 (READ-ONLY COPY).

The authoritative reference and input builder live on the scoring server;
editing this copy changes nothing except your own understanding.
"""

import jax, jax.numpy as jnp
import numpy as np

OUTPUT_SIZE = (224, 224)


def setup_inputs(seed: int = 0) -> dict:
    key = jax.random.key(seed)
    k1, k2 = jax.random.split(key)
    X = jax.random.normal(k1, (8, 224, 224, 96), dtype=jnp.float32)
    transformation = jax.random.normal(k2, (8, 6), dtype=jnp.float32)
    return {"X": X, "transformation": transformation}


def reference(X, transformation):
    B, H, W, C = X.shape
    Hout, Wout = OUTPUT_SIZE
    flat_out = Hout * Wout
    # regular grid in [-1, 1], homogeneous coords [3, Hout*Wout]
    x_lin = jnp.linspace(-1.0, 1.0, Wout)
    y_lin = jnp.linspace(-1.0, 1.0, Hout)
    xg, yg = jnp.meshgrid(x_lin, y_lin)
    grid = jnp.concatenate([xg.ravel(), yg.ravel(), jnp.ones(flat_out)], axis=0)
    grid = grid.reshape(3, flat_out).astype(jnp.float32)
    # batch of affine transforms [B, 2, 3]
    T = transformation.reshape(B, 2, 3)
    sampled = jnp.einsum('bij,jk->bik', T, grid)  # [B, 2, Hout*Wout]
    x = sampled[:, 0, :].reshape(-1)
    y = sampled[:, 1, :].reshape(-1)
    x = 0.5 * (x + 1.0) * jnp.float32(W)
    y = 0.5 * (y + 1.0) * jnp.float32(H)
    x0 = x.astype(jnp.int32)
    x1 = x0 + 1
    y0 = y.astype(jnp.int32)
    y1 = y0 + 1
    max_x = W - 1
    max_y = H - 1
    x0 = jnp.clip(x0, 0, max_x)
    x1 = jnp.clip(x1, 0, max_x)
    y0 = jnp.clip(y0, 0, max_y)
    y1 = jnp.clip(y1, 0, max_y)
    base = jnp.repeat(jnp.arange(B, dtype=jnp.int32) * (H * W), flat_out)
    base_y0 = base + y0 * W
    base_y1 = base + y1 * W
    indices_a = base_y0 + x0
    indices_b = base_y1 + x0
    indices_c = base_y0 + x1
    indices_d = base_y1 + x1
    flat_image = X.reshape(-1, C).astype(jnp.float32)
    pa = jnp.take(flat_image, indices_a, axis=0)
    pb = jnp.take(flat_image, indices_b, axis=0)
    pc = jnp.take(flat_image, indices_c, axis=0)
    pd = jnp.take(flat_image, indices_d, axis=0)
    x0f = x0.astype(jnp.float32)
    x1f = x1.astype(jnp.float32)
    y0f = y0.astype(jnp.float32)
    y1f = y1.astype(jnp.float32)
    area_a = ((x1f - x) * (y1f - y))[:, None]
    area_b = ((x1f - x) * (y - y0f))[:, None]
    area_c = ((x - x0f) * (y1f - y))[:, None]
    area_d = ((x - x0f) * (y - y0f))[:, None]
    interp = area_a * pa + area_b * pb + area_c * pc + area_d * pd
    return interp.reshape(B, Hout, Wout, C)

if __name__ == "__main__":
    import jax
    _d = setup_inputs()
    print(jax.jit(kernel)(*tuple(_d.values())))

</pallas_src>

<mosaic_0001>
#map = affine_map<(d0, d1) -> (0, 0)>
#map1 = affine_map<(d0, d1) -> (0)>
module attributes {stable_mosaic.version = 14 : i64} {
  func.func @_sc_bilinear(%arg0: i32, %arg1: i32, %arg2: memref<401408x96xf32, #tpu.memory_space<hbm>>, %arg3: memref<401408xf32, #tpu.memory_space<hbm>>, %arg4: memref<401408xf32, #tpu.memory_space<hbm>>, %arg5: memref<401408x96xf32, #tpu.memory_space<hbm>>, %arg6: memref<12544xf32, #tpu.memory_space<vmem>>, %arg7: memref<12544xf32, #tpu.memory_space<vmem>>, %arg8: memref<2x128xi32, #tpu.memory_space<vmem>>, %arg9: memref<2x128xf32, #tpu.memory_space<vmem>>, %arg10: memref<256x96xf32, #tpu.memory_space<vmem>>, %arg11: memref<64x96xf32, #tpu.memory_space<vmem>>, %arg12: memref<!tpu.dma_semaphore, #tpu.memory_space<semaphore_mem>>, %arg13: memref<!tpu.dma_semaphore, #tpu.memory_space<semaphore_mem>>, %arg14: memref<!tpu.dma_semaphore, #tpu.memory_space<semaphore_mem>>, %arg15: memref<!tpu.dma_semaphore, #tpu.memory_space<semaphore_mem>>) attributes {dimension_semantics = [#tpu.dimension_semantics<core_parallel>, #tpu.dimension_semantics<subcore_parallel>], iteration_bounds = array<i64: 2, 16>, scalar_prefetch = 0 : i64, scratch_operands = 10 : i64, tpu.core_type = #tpu.core_type<sc_vector_subcore>, window_params = [{transform_indices = #map}, {transform_indices = #map1}, {transform_indices = #map1}, {transform_indices = #map}]} {
    %mul3A = arith.constant 16 : i32
    %mul3A_0 = arith.muli %arg0, %mul3A : i32
    %add3A = arith.addi %mul3A_0, %arg1 : i32
    %mul3A_1 = arith.constant 12544 : i32
    %mul3A_2 = arith.muli %add3A, %mul3A_1 : i32
    %jit3A = arith.constant 4 : i32
    %div3A = arith.divsi %add3A, %jit3A : i32
    %sign3A = arith.constant 0 : i32
    %sign3A_3 = arith.cmpi sgt, %add3A, %sign3A : i32
    %sign3A_4 = arith.extui %sign3A_3 : i1 to i32
    %sign3A_5 = arith.constant 0 : i32
    %sign3A_6 = arith.cmpi slt, %add3A, %sign3A_5 : i32
    %sign3A_7 = arith.extui %sign3A_6 : i1 to i32
    %sign3A_8 = arith.subi %sign3A_4, %sign3A_7 : i32
    %sign3A_9 = arith.constant 0 : i32
    %sign3A_10 = arith.cmpi sgt, %jit3A, %sign3A_9 : i32
    %sign3A_11 = arith.extui %sign3A_10 : i1 to i32
    %sign3A_12 = arith.constant 0 : i32
    %sign3A_13 = arith.cmpi slt, %jit3A, %sign3A_12 : i32
    %sign3A_14 = arith.extui %sign3A_13 : i1 to i32
    %sign3A_15 = arith.subi %sign3A_11, %sign3A_14 : i32
    %ne3A = arith.cmpi ne, %sign3A_8, %sign3A_15 : i32
    %rem3A = arith.remsi %add3A, %jit3A : i32
    %ne3A_16 = arith.constant 0 : i32
    %ne3A_17 = arith.cmpi ne, %rem3A, %ne3A_16 : i32
    %and3A = arith.andi %ne3A, %ne3A_17 : i1
    %sub3A = arith.constant 1 : i32
    %sub3A_18 = arith.subi %div3A, %sub3A : i32
    %select_n3A = arith.select %and3A, %sub3A_18, %div3A : i32
    %mul3A_19 = arith.constant 50176 : i32
    %mul3A_20 = arith.muli %select_n3A, %mul3A_19 : i32
    "tpu.region"() ({
      %run_scoped3A = tpu.sem_alloc : memref<!tpu.dma_semaphore, #tpu.memory_space<semaphore_mem>>
      %dma_start3A_283 = tpu.memref_slice %arg3[%mul3A_2] : memref<401408xf32, #tpu.memory_space<hbm>> -> memref<12544xf32, #tpu.memory_space<hbm>>
      %dma_start3A_284 = tpu.memref_slice %arg3[%mul3A_2] : memref<401408xf32, #tpu.memory_space<hbm>> -> memref<12544xf32, #tpu.memory_space<hbm>>
      tpu.enqueue_dma source(%dma_start3A_284 : memref<12544xf32, #tpu.memory_space<hbm>>) target(%arg6 : memref<12544xf32, #tpu.memory_space<vmem>>) target_semaphore(%run_scoped3A : memref<!tpu.dma_semaphore, #tpu.memory_space<semaphore_mem>>)
      %dma_wait3A_285 = tpu.memref_slice %arg3[%mul3A_2] : memref<401408xf32, #tpu.memory_space<hbm>> -> memref<12544xf32, #tpu.memory_space<hbm>>
      %dma_wait3A_286 = tpu.memref_slice %arg3[%mul3A_2] : memref<401408xf32, #tpu.memory_space<hbm>> -> memref<12544xf32, #tpu.memory_space<hbm>>
      tpu.wait_dma2 semaphore(%run_scoped3A : memref<!tpu.dma_semaphore, #tpu.memory_space<semaphore_mem>>) src(%dma_wait3A_286 : memref<12544xf32, #tpu.memory_space<hbm>>) dst(%arg6 : memref<12544xf32, #tpu.memory_space<vmem>>)
      tpu.yield
    }) : () -> ()
    "tpu.region"() ({
      %run_scoped3A = tpu.sem_alloc : memref<!tpu.dma_semaphore, #tpu.memory_space<semaphore_mem>>
      %dma_start3A_283 = tpu.memref_slice %arg4[%mul3A_2] : memref<401408xf32, #tpu.memory_space<hbm>> -> memref<12544xf32, #tpu.memory_space<hbm>>
      %dma_start3A_284 = tpu.memref_slice %arg4[%mul3A_2] : memref<401408xf32, #tpu.memory_space<hbm>> -> memref<12544xf32, #tpu.memory_space<hbm>>
      tpu.enqueue_dma source(%dma_start3A_284 : memref<12544xf32, #tpu.memory_space<hbm>>) target(%arg7 : memref<12544xf32, #tpu.memory_space<vmem>>) target_semaphore(%run_scoped3A : memref<!tpu.dma_semaphore, #tpu.memory_space<semaphore_mem>>)
      %dma_wait3A_285 = tpu.memref_slice %arg4[%mul3A_2] : memref<401408xf32, #tpu.memory_space<hbm>> -> memref<12544xf32, #tpu.memory_space<hbm>>
      %dma_wait3A_286 = tpu.memref_slice %arg4[%mul3A_2] : memref<401408xf32, #tpu.memory_space<hbm>> -> memref<12544xf32, #tpu.memory_space<hbm>>
      tpu.wait_dma2 semaphore(%run_scoped3A : memref<!tpu.dma_semaphore, #tpu.memory_space<semaphore_mem>>) src(%dma_wait3A_286 : memref<12544xf32, #tpu.memory_space<hbm>>) dst(%arg7 : memref<12544xf32, #tpu.memory_space<vmem>>)
      tpu.yield
    }) : () -> ()
    %iota3A = tpu.iota {dimensions = array<i32: 0>} : vector<16xi32>
    %get3A = arith.constant 0 : index
    %get3A_21 = tpu.vector_load %arg6[%get3A] {strides = array<i32>} : memref<12544xf32, #tpu.memory_space<vmem>>, vector<16xf32>,
    %get3A_22 = arith.constant 0 : index
    %get3A_23 = tpu.vector_load %arg7[%get3A_22] {strides = array<i32>} : memref<12544xf32, #tpu.memory_space<vmem>>, vector<16xf32>,
    %add3A_24 = arith.constant 1.000000e+00 : f32
    %add3A_25 = vector.broadcast %add3A_24 : f32 to vector<16xf32>
    %add3A_26 = arith.addf %get3A_21, %add3A_25 : vector<16xf32>
    %mul3A_27 = arith.constant 5.000000e-01 : f32
    %mul3A_28 = vector.broadcast %mul3A_27 : f32 to vector<16xf32>
    %mul3A_29 = arith.mulf %mul3A_28, %add3A_26 : vector<16xf32>
    %mul3A_30 = arith.constant 2.240000e+02 : f32
    %mul3A_31 = vector.broadcast %mul3A_30 : f32 to vector<16xf32>
    %mul3A_32 = arith.mulf %mul3A_29, %mul3A_31 : vector<16xf32>
    %add3A_33 = arith.constant 1.000000e+00 : f32
    %add3A_34 = vector.broadcast %add3A_33 : f32 to vector<16xf32>
    %add3A_35 = arith.addf %get3A_23, %add3A_34 : vector<16xf32>
    %mul3A_36 = arith.constant 5.000000e-01 : f32
    %mul3A_37 = vector.broadcast %mul3A_36 : f32 to vector<16xf32>
    %mul3A_38 = arith.mulf %mul3A_37, %add3A_35 : vector<16xf32>
    %mul3A_39 = arith.constant 2.240000e+02 : f32
    %mul3A_40 = vector.broadcast %mul3A_39 : f32 to vector<16xf32>
    %mul3A_41 = arith.mulf %mul3A_38, %mul3A_40 : vector<16xf32>
    %convert_element_type3A = arith.fptosi %mul3A_32 : vector<16xf32> to vector<16xi32>
    %convert_element_type3A_42 = arith.fptosi %mul3A_41 : vector<16xf32> to vector<16xi32>
    %jit3A_43 = arith.constant 0 : i32
    %jit3A_44 = arith.constant 223 : i32
    %max3A = vector.broadcast %jit3A_43 : i32 to vector<16xi32>
    %max3A_45 = arith.maxsi %max3A, %convert_element_type3A : vector<16xi32>
    %min3A = vector.broadcast %jit3A_44 : i32 to vector<16xi32>
    %min3A_46 = arith.minsi %min3A, %max3A_45 : vector<16xi32>
    %add3A_47 = arith.constant 1 : i32
    %add3A_48 = vector.broadcast %add3A_47 : i32 to vector<16xi32>
    %add3A_49 = arith.addi %convert_element_type3A, %add3A_48 : vector<16xi32>
    %jit3A_50 = arith.constant 0 : i32
    %jit3A_51 = arith.constant 223 : i32
    %max3A_52 = vector.broadcast %jit3A_50 : i32 to vector<16xi32>
    %max3A_53 = arith.maxsi %max3A_52, %add3A_49 : vector<16xi32>
    %min3A_54 = vector.broadcast %jit3A_51 : i32 to vector<16xi32>
    %min3A_55 = arith.minsi %min3A_54, %max3A_53 : vector<16xi32>
    %jit3A_56 = arith.constant 0 : i32
    %jit3A_57 = arith.constant 223 : i32
    %max3A_58 = vector.broadcast %jit3A_56 : i32 to vector<16xi32>
    %max3A_59 = arith.maxsi %max3A_58, %convert_element_type3A_42 : vector<16xi32>
    %min3A_60 = vector.broadcast %jit3A_57 : i32 to vector<16xi32>
    %min3A_61 = arith.minsi %min3A_60, %max3A_59 : vector<16xi32>
    %add3A_62 = arith.constant 1 : i32
    %add3A_63 = vector.broadcast %add3A_62 : i32 to vector<16xi32>
    %add3A_64 = arith.addi %convert_element_type3A_42, %add3A_63 : vector<16xi32>
    %jit3A_65 = arith.constant 0 : i32
    %jit3A_66 = arith.constant 223 : i32
    %max3A_67 = vector.broadcast %jit3A_65 : i32 to vector<16xi32>
    %max3A_68 = arith.maxsi %max3A_67, %add3A_64 : vector<16xi32>
    %min3A_69 = vector.broadcast %jit3A_66 : i32 to vector<16xi32>
    %min3A_70 = arith.minsi %min3A_69, %max3A_68 : vector<16xi32>
    %convert_element_type3A_71 = arith.sitofp %min3A_46 : vector<16xi32> to vector<16xf32>
    %convert_element_type3A_72 = arith.sitofp %min3A_55 : vector<16xi32> to vector<16xf32>
    %convert_element_type3A_73 = arith.sitofp %min3A_61 : vector<16xi32> to vector<16xf32>
    %convert_element_type3A_74 = arith.sitofp %min3A_70 : vector<16xi32> to vector<16xf32>
    %mul3A_75 = arith.constant 224 : i32
    %mul3A_76 = vector.broadcast %mul3A_75 : i32 to vector<16xi32>
    %mul3A_77 = arith.muli %min3A_61, %mul3A_76 : vector<16xi32>
    %add3A_78 = vector.broadcast %mul3A_20 : i32 to vector<16xi32>
    %add3A_79 = arith.addi %add3A_78, %mul3A_77 : vector<16xi32>
    %add3A_80 = arith.addi %add3A_79, %min3A_46 : vector<16xi32>
    %mul3A_81 = arith.constant 224 : i32
    %mul3A_82 = vector.broadcast %mul3A_81 : i32 to vector<16xi32>
    %mul3A_83 = arith.muli %min3A_70, %mul3A_82 : vector<16xi32>
    %add3A_84 = vector.broadcast %mul3A_20 : i32 to vector<16xi32>
    %add3A_85 = arith.addi %add3A_84, %mul3A_83 : vector<16xi32>
    %add3A_86 = arith.addi %add3A_85, %min3A_46 : vector<16xi32>
    %sub3A_87 = arith.subi %min3A_55, %min3A_46 : vector<16xi32>
    %swap3A = arith.constant 0 : i32
    %swap3A_88 = arith.index_cast %swap3A : i32 to index
    %swap3A_89 = arith.constant 0 : index
    %swap3A_90 = tpu.vector_load %arg8[%swap3A_88, %swap3A_89] {strides = array<i32>} : memref<2x128xi32, #tpu.memory_space<vmem>>, vector<16xi32>,
    tpu.vector_store %arg8[%swap3A_88, %swap3A_89], %add3A_80 {strides = array<i32>} : memref<2x128xi32, #tpu.memory_space<vmem>>, vector<16xi32>,
    %swap3A_91 = arith.constant 0 : i32
    %swap3A_92 = arith.index_cast %swap3A_91 : i32 to index
    %swap3A_93 = arith.constant 16 : index
    %swap3A_94 = tpu.vector_load %arg8[%swap3A_92, %swap3A_93] {strides = array<i32>} : memref<2x128xi32, #tpu.memory_space<vmem>>, vector<16xi32>,
    tpu.vector_store %arg8[%swap3A_92, %swap3A_93], %add3A_86 {strides = array<i32>} : memref<2x128xi32, #tpu.memory_space<vmem>>, vector<16xi32>,
    %add3A_95 = arith.addi %add3A_80, %sub3A_87 : vector<16xi32>
    %swap3A_96 = arith.constant 0 : i32
    %swap3A_97 = arith.index_cast %swap3A_96 : i32 to index
    %swap3A_98 = arith.constant 32 : index
    %swap3A_99 = tpu.vector_load %arg8[%swap3A_97, %swap3A_98] {strides = array<i32>} : memref<2x128xi32, #tpu.memory_space<vmem>>, vector<16xi32>,
    tpu.vector_store %arg8[%swap3A_97, %swap3A_98], %add3A_95 {strides = array<i32>} : memref<2x128xi32, #tpu.memory_space<vmem>>, vector<16xi32>,
    %add3A_100 = arith.addi %add3A_86, %sub3A_87 : vector<16xi32>
    %swap3A_101 = arith.constant 0 : i32
    %swap3A_102 = arith.index_cast %swap3A_101 : i32 to index
    %swap3A_103 = arith.constant 48 : index
    %swap3A_104 = tpu.vector_load %arg8[%swap3A_102, %swap3A_103] {strides = array<i32>} : memref<2x128xi32, #tpu.memory_space<vmem>>, vector<16xi32>,
    tpu.vector_store %arg8[%swap3A_102, %swap3A_103], %add3A_100 {strides = array<i32>} : memref<2x128xi32, #tpu.memory_space<vmem>>, vector<16xi32>,
    %sub3A_105 = arith.subf %convert_element_type3A_72, %mul3A_32 : vector<16xf32>
    %sub3A_106 = arith.subf %convert_element_type3A_74, %mul3A_41 : vector<16xf32>
    %mul3A_107 = arith.mulf %sub3A_105, %sub3A_106 : vector<16xf32>
    %swap3A_108 = arith.constant 0 : i32
    %swap3A_109 = arith.index_cast %swap3A_108 : i32 to index
    %swap3A_110 = arith.constant 0 : index
    %swap3A_111 = tpu.vector_load %arg9[%swap3A_109, %swap3A_110] {strides = array<i32>} : memref<2x128xf32, #tpu.memory_space<vmem>>, vector<16xf32>,
    tpu.vector_store %arg9[%swap3A_109, %swap3A_110], %mul3A_107 {strides = array<i32>} : memref<2x128xf32, #tpu.memory_space<vmem>>, vector<16xf32>,
    %sub3A_112 = arith.subf %convert_element_type3A_72, %mul3A_32 : vector<16xf32>
    %sub3A_113 = arith.subf %mul3A_41, %convert_element_type3A_73 : vector<16xf32>
    %mul3A_114 = arith.mulf %sub3A_112, %sub3A_113 : vector<16xf32>
    %swap3A_115 = arith.constant 0 : i32
    %swap3A_116 = arith.index_cast %swap3A_115 : i32 to index
    %swap3A_117 = arith.constant 16 : index
    %swap3A_118 = tpu.vector_load %arg9[%swap3A_116, %swap3A_117] {strides = array<i32>} : memref<2x128xf32, #tpu.memory_space<vmem>>, vector<16xf32>,
    tpu.vector_store %arg9[%swap3A_116, %swap3A_117], %mul3A_114 {strides = array<i32>} : memref<2x128xf32, #tpu.memory_space<vmem>>, vector<16xf32>,
    %sub3A_119 = arith.subf %mul3A_32, %convert_element_type3A_71 : vector<16xf32>
    %sub3A_120 = arith.subf %convert_element_type3A_74, %mul3A_41 : vector<16xf32>
    %mul3A_121 = arith.mulf %sub3A_119, %sub3A_120 : vector<16xf32>
    %swap3A_122 = arith.constant 0 : i32
    %swap3A_123 = arith.index_cast %swap3A_122 : i32 to index
    %swap3A_124 = arith.constant 32 : index
    %swap3A_125 = tpu.vector_load %arg9[%swap3A_123, %swap3A_124] {strides = array<i32>} : memref<2x128xf32, #tpu.memory_space<vmem>>, vector<16xf32>,
    tpu.vector_store %arg9[%swap3A_123, %swap3A_124], %mul3A_121 {strides = array<i32>} : memref<2x128xf32, #tpu.memory_space<vmem>>, vector<16xf32>,
    %sub3A_126 = arith.subf %mul3A_32, %convert_element_type3A_71 : vector<16xf32>
    %sub3A_127 = arith.subf %mul3A_41, %convert_element_type3A_73 : vector<16xf32>
    %mul3A_128 = arith.mulf %sub3A_126, %sub3A_127 : vector<16xf32>
    %swap3A_129 = arith.constant 0 : i32
    %swap3A_130 = arith.index_cast %swap3A_129 : i32 to index
    %swap3A_131 = arith.constant 48 : index
    %swap3A_132 = tpu.vector_load %arg9[%swap3A_130, %swap3A_131] {strides = array<i32>} : memref<2x128xf32, #tpu.memory_space<vmem>>, vector<16xf32>,
    tpu.vector_store %arg9[%swap3A_130, %swap3A_131], %mul3A_128 {strides = array<i32>} : memref<2x128xf32, #tpu.memory_space<vmem>>, vector<16xf32>,
    %get3A_133 = arith.constant 16 : index
    %get3A_134 = tpu.vector_load %arg6[%get3A_133] {strides = array<i32>} : memref<12544xf32, #tpu.memory_space<vmem>>, vector<16xf32>,
    %get3A_135 = arith.constant 16 : index
    %get3A_136 = tpu.vector_load %arg7[%get3A_135] {strides = array<i32>} : memref<12544xf32, #tpu.memory_space<vmem>>, vector<16xf32>,
    %add3A_137 = arith.constant 1.000000e+00 : f32
    %add3A_138 = vector.broadcast %add3A_137 : f32 to vector<16xf32>
    %add3A_139 = arith.addf %get3A_134, %add3A_138 : vector<16xf32>
    %mul3A_140 = arith.constant 5.000000e-01 : f32
    %mul3A_141 = vector.broadcast %mul3A_140 : f32 to vector<16xf32>
    %mul3A_142 = arith.mulf %mul3A_141, %add3A_139 : vector<16xf32>
    %mul3A_143 = arith.constant 2.240000e+02 : f32
    %mul3A_144 = vector.broadcast %mul3A_143 : f32 to vector<16xf32>
    %mul3A_145 = arith.mulf %mul3A_142, %mul3A_144 : vector<16xf32>
    %add3A_146 = arith.constant 1.000000e+00 : f32
    %add3A_147 = vector.broadcast %add3A_146 : f32 to vector<16xf32>
    %add3A_148 = arith.addf %get3A_136, %add3A_147 : vector<16xf32>
    %mul3A_149 = arith.constant 5.000000e-01 : f32
    %mul3A_150 = vector.broadcast %mul3A_149 : f32 to vector<16xf32>
    %mul3A_151 = arith.mulf %mul3A_150, %add3A_148 : vector<16xf32>
    %mul3A_152 = arith.constant 2.240000e+02 : f32
    %mul3A_153 = vector.broadcast %mul3A_152 : f32 to vector<16xf32>
    %mul3A_154 = arith.mulf %mul3A_151, %mul3A_153 : vector<16xf32>
    %convert_element_type3A_155 = arith.fptosi %mul3A_145 : vector<16xf32> to vector<16xi32>
    %convert_element_type3A_156 = arith.fptosi %mul3A_154 : vector<16xf32> to vector<16xi32>
    %jit3A_157 = arith.constant 0 : i32
    %jit3A_158 = arith.constant 223 : i32
    %max3A_159 = vector.broadcast %jit3A_157 : i32 to vector<16xi32>
    %max3A_160 = arith.maxsi %max3A_159, %convert_element_type3A_155 : vector<16xi32>
    %min3A_161 = vector.broadcast %jit3A_158 : i32 to vector<16xi32>
    %min3A_162 = arith.minsi %min3A_161, %max3A_160 : vector<16xi32>
    %add3A_163 = arith.constant 1 : i32
    %add3A_164 = vector.broadcast %add3A_163 : i32 to vector<16xi32>
    %add3A_165 = arith.addi %convert_element_type3A_155, %add3A_164 : vector<16xi32>
    %jit3A_166 = arith.constant 0 : i32
    %jit3A_167 = arith.constant 223 : i32
    %max3A_168 = vector.broadcast %jit3A_166 : i32 to vector<16xi32>
    %max3A_169 = arith.maxsi %max3A_168, %add3A_165 : vector<16xi32>
    %min3A_170 = vector.broadcast %jit3A_167 : i32 to vector<16xi32>
    %min3A_171 = arith.minsi %min3A_170, %max3A_169 : vector<16xi32>
    %jit3A_172 = arith.constant 0 : i32
    %jit3A_173 = arith.constant 223 : i32
    %max3A_174 = vector.broadcast %jit3A_172 : i32 to vector<16xi32>
    %max3A_175 = arith.maxsi %max3A_174, %convert_element_type3A_156 : vector<16xi32>
    %min3A_176 = vector.broadcast %jit3A_173 : i32 to vector<16xi32>
    %min3A_177 = arith.minsi %min3A_176, %max3A_175 : vector<16xi32>
    %add3A_178 = arith.constant 1 : i32
    %add3A_179 = vector.broadcast %add3A_178 : i32 to vector<16xi32>
    %add3A_180 = arith.addi %convert_element_type3A_156, %add3A_179 : vector<16xi32>
    %jit3A_181 = arith.constant 0 : i32
    %jit3A_182 = arith.constant 223 : i32
    %max3A_183 = vector.broadcast %jit3A_181 : i32 to vector<16xi32>
    %max3A_184 = arith.maxsi %max3A_183, %add3A_180 : vector<16xi32>
    %min3A_185 = vector.broadcast %jit3A_182 : i32 to vector<16xi32>
    %min3A_186 = arith.minsi %min3A_185, %max3A_184 : vector<16xi32>
    %convert_element_type3A_187 = arith.sitofp %min3A_162 : vector<16xi32> to vector<16xf32>
    %convert_element_type3A_188 = arith.sitofp %min3A_171 : vector<16xi32> to vector<16xf32>
    %convert_element_type3A_189 = arith.sitofp %min3A_177 : vector<16xi32> to vector<16xf32>
    %convert_element_type3A_190 = arith.sitofp %min3A_186 : vector<16xi32> to vector<16xf32>
    %mul3A_191 = arith.constant 224 : i32
    %mul3A_192 = vector.broadcast %mul3A_191 : i32 to vector<16xi32>
    %mul3A_193 = arith.muli %min3A_177, %mul3A_192 : vector<16xi32>
    %add3A_194 = vector.broadcast %mul3A_20 : i32 to vector<16xi32>
    %add3A_195 = arith.addi %add3A_194, %mul3A_193 : vector<16xi32>
    %add3A_196 = arith.addi %add3A_195, %min3A_162 : vector<16xi32>
    %mul3A_197 = arith.constant 224 : i32
    %mul3A_198 = vector.broadcast %mul3A_197 : i32 to vector<16xi32>
    %mul3A_199 = arith.muli %min3A_186, %mul3A_198 : vector<16xi32>
    %add3A_200 = vector.broadcast %mul3A_20 : i32 to vector<16xi32>
    %add3A_201 = arith.addi %add3A_200, %mul3A_199 : vector<16xi32>
    %add3A_202 = arith.addi %add3A_201, %min3A_162 : vector<16xi32>
    %sub3A_203 = arith.subi %min3A_171, %min3A_162 : vector<16xi32>
    %swap3A_204 = arith.constant 0 : i32
    %swap3A_205 = arith.index_cast %swap3A_204 : i32 to index
    %swap3A_206 = arith.constant 64 : index
    %swap3A_207 = tpu.vector_load %arg8[%swap3A_205, %swap3A_206] {strides = array<i32>} : memref<2x128xi32, #tpu.memory_space<vmem>>, vector<16xi32>,
    tpu.vector_store %arg8[%swap3A_205, %swap3A_206], %add3A_196 {strides = array<i32>} : memref<2x128xi32, #tpu.memory_space<vmem>>, vector<16xi32>,
    %swap3A_208 = arith.constant 0 : i32
    %swap3A_209 = arith.index_cast %swap3A_208 : i32 to index
    %swap3A_210 = arith.constant 80 : index
    %swap3A_211 = tpu.vector_load %arg8[%swap3A_209, %swap3A_210] {strides = array<i32>} : memref<2x128xi32, #tpu.memory_space<vmem>>, vector<16xi32>,
    tpu.vector_store %arg8[%swap3A_209, %swap3A_210], %add3A_202 {strides = array<i32>} : memref<2x128xi32, #tpu.memory_space<vmem>>, vector<16xi32>,
    %add3A_212 = arith.addi %add3A_196, %sub3A_203 : vector<16xi32>
    %swap3A_213 = arith.constant 0 : i32
    %swap3A_214 = arith.index_cast %swap3A_213 : i32 to index
    %swap3A_215 = arith.constant 96 : index
    %swap3A_216 = tpu.vector_load %arg8[%swap3A_214, %swap3A_215] {strides = array<i32>} : memref<2x128xi32, #tpu.memory_space<vmem>>, vector<16xi32>,
    tpu.vector_store %arg8[%swap3A_214, %swap3A_215], %add3A_212 {strides = array<i32>} : memref<2x128xi32, #tpu.memory_space<vmem>>, vector<16xi32>,
    %add3A_217 = arith.addi %add3A_202, %sub3A_203 : vector<16xi32>
    %swap3A_218 = arith.constant 0 : i32
    %swap3A_219 = arith.index_cast %swap3A_218 : i32 to index
    %swap3A_220 = arith.constant 112 : index
    %swap3A_221 = tpu.vector_load %arg8[%swap3A_219, %swap3A_220] {strides = array<i32>} : memref<2x128xi32, #tpu.memory_space<vmem>>, vector<16xi32>,
    tpu.vector_store %arg8[%swap3A_219, %swap3A_220], %add3A_217 {strides = array<i32>} : memref<2x128xi32, #tpu.memory_space<vmem>>, vector<16xi32>,
    %sub3A_222 = arith.subf %convert_element_type3A_188, %mul3A_145 : vector<16xf32>
    %sub3A_223 = arith.subf %convert_element_type3A_190, %mul3A_154 : vector<16xf32>
    %mul3A_224 = arith.mulf %sub3A_222, %sub3A_223 : vector<16xf32>
    %swap3A_225 = arith.constant 0 : i32
    %swap3A_226 = arith.index_cast %swap3A_225 : i32 to index
    %swap3A_227 = arith.constant 64 : index
    %swap3A_228 = tpu.vector_load %arg9[%swap3A_226, %swap3A_227] {strides = array<i32>} : memref<2x128xf32, #tpu.memory_space<vmem>>, vector<16xf32>,
    tpu.vector_store %arg9[%swap3A_226, %swap3A_227], %mul3A_224 {strides = array<i32>} : memref<2x128xf32, #tpu.memory_space<vmem>>, vector<16xf32>,
    %sub3A_229 = arith.subf %convert_element_type3A_188, %mul3A_145 : vector<16xf32>
    %sub3A_230 = arith.subf %mul3A_154, %convert_element_type3A_189 : vector<16xf32>
    %mul3A_231 = arith.mulf %sub3A_229, %sub3A_230 : vector<16xf32>
    %swap3A_232 = arith.constant 0 : i32
    %swap3A_233 = arith.index_cast %swap3A_232 : i32 to index
    %swap3A_234 = arith.constant 80 : index
    %swap3A_235 = tpu.vector_load %arg9[%swap3A_233, %swap3A_234] {strides = array<i32>} : memref<2x128xf32, #tpu.memory_space<vmem>>, vector<16xf32>,
    tpu.vector_store %arg9[%swap3A_233, %swap3A_234], %mul3A_231 {strides = array<i32>} : memref<2x128xf32, #tpu.memory_space<vmem>>, vector<16xf32>,
    %sub3A_236 = arith.subf %mul3A_145, %convert_element_type3A_187 : vector<16xf32>
    %sub3A_237 = arith.subf %convert_element_type3A_190, %mul3A_154 : vector<16xf32>
    %mul3A_238 = arith.mulf %sub3A_236, %sub3A_237 : vector<16xf32>
    %swap3A_239 = arith.constant 0 : i32
    %swap3A_240 = arith.index_cast %swap3A_239 : i32 to index
    %swap3A_241 = arith.constant 96 : index
    %swap3A_242 = tpu.vector_load %arg9[%swap3A_240, %swap3A_241] {strides = array<i32>} : memref<2x128xf32, #tpu.memory_space<vmem>>, vector<16xf32>,
    tpu.vector_store %arg9[%swap3A_240, %swap3A_241], %mul3A_238 {strides = array<i32>} : memref<2x128xf32, #tpu.memory_space<vmem>>, vector<16xf32>,
    %sub3A_243 = arith.subf %mul3A_145, %convert_element_type3A_187 : vector<16xf32>
    %sub3A_244 = arith.subf %mul3A_154, %convert_element_type3A_189 : vector<16xf32>
    %mul3A_245 = arith.mulf %sub3A_243, %sub3A_244 : vector<16xf32>
    %swap3A_246 = arith.constant 0 : i32
    %swap3A_247 = arith.index_cast %swap3A_246 : i32 to index
    %swap3A_248 = arith.constant 112 : index
    %swap3A_249 = tpu.vector_load %arg9[%swap3A_247, %swap3A_248] {strides = array<i32>} : memref<2x128xf32, #tpu.memory_space<vmem>>, vector<16xf32>,
    tpu.vector_store %arg9[%swap3A_247, %swap3A_248], %mul3A_245 {strides = array<i32>} : memref<2x128xf32, #tpu.memory_space<vmem>>, vector<16xf32>,
    %dma_start3A = arith.constant 0 : i32
    %dma_start3A_250 = arith.constant 0 : i32
    %dma_start3A_251 = arith.constant 0 : i32
    %dma_start3A_252 = tpu.memref_slice %arg10[%dma_start3A_250, %dma_start3A_251] : memref<256x96xf32, #tpu.memory_space<vmem>> -> memref<128x96xf32, #tpu.memory_space<vmem>>
    %dma_start3A_253 = arith.constant 0 : i32
    %dma_start3A_254 = tpu.memref_slice %arg8[%dma_start3A, %dma_start3A_253] : memref<2x128xi32, #tpu.memory_space<vmem>> -> memref<1x128xi32, #tpu.memory_space<vmem>>
    %dma_start3A_255 = tpu.memref_squeeze %dma_start3A_254 : memref<1x128xi32, #tpu.memory_space<vmem>> -> memref<128xi32, #tpu.memory_space<vmem>>
    %dma_start3A_256 = arith.constant 0 : i32
    %dma_start3A_257 = arith.constant 0 : i32
    %dma_start3A_258 = tpu.memref_slice %arg2[%dma_start3A_256, %dma_start3A_257] : memref<401408x96xf32, #tpu.memory_space<hbm>> -> memref<401408x96xf32, #tpu.memory_space<hbm>>
    tpu.enqueue_indirect_dma source(%dma_start3A_258 : memref<401408x96xf32, #tpu.memory_space<hbm>>) target(%dma_start3A_252 : memref<128x96xf32, #tpu.memory_space<vmem>>) offsets(%dma_start3A_255 : memref<128xi32, #tpu.memory_space<vmem>>) semaphore(%arg12 : memref<!tpu.dma_semaphore, #tpu.memory_space<semaphore_mem>>)
    %scan3A = arith.constant 0 : i32
    %scan3A_259 = arith.constant 0 : i32
    %scan3A_260 = arith.constant 196 : i32
    %scan3A_261 = arith.addi %scan3A_259, %scan3A_260 : i32
    %scan3A_262 = arith.constant 1 : i32
    scf.for %scan3A_283 = %scan3A_259 to %scan3A_261 step %scan3A_262  : i32 {
      %mul3A_284 = arith.constant 2 : i32
      %mul3A_285 = arith.muli %mul3A_284, %scan3A_283 : i32
      %add3A_286 = arith.constant 0 : i32
      %add3A_287 = arith.addi %mul3A_285, %add3A_286 : i32
      %add3A_288 = arith.constant 1 : i32
      %add3A_289 = arith.addi %add3A_287, %add3A_288 : i32
      %lt3A = arith.constant 392 : i32
      %lt3A_290 = arith.cmpi slt, %add3A_289, %lt3A : i32
      %convert_element_type3A_291 = arith.extui %lt3A_290 : i1 to i32
      %cond3A = arith.constant 0 : i32
      %cond3A_292 = arith.cmpi ne, %convert_element_type3A_291, %cond3A : i32
      scf.if %cond3A_292 {
        %add3A_374 = arith.constant 1 : i32
        %add3A_375 = arith.addi %add3A_287, %add3A_374 : i32
        %mul3A_376 = arith.constant 32 : i32
        %mul3A_377 = arith.muli %add3A_375, %mul3A_376 : i32
        %add3A_378 = arith.constant 0 : i32
        %add3A_379 = arith.addi %mul3A_377, %add3A_378 : i32
        %get3A_380 = arith.index_cast %add3A_379 : i32 to index
        %get3A_381 = tpu.vector_load %arg6[%get3A_380] {strides = array<i32>} : memref<12544xf32, #tpu.memory_space<vmem>>, vector<16xf32>,
        %mul3A_382 = arith.constant 32 : i32
        %mul3A_383 = arith.muli %add3A_375, %mul3A_382 : i32
        %add3A_384 = arith.constant 0 : i32
        %add3A_385 = arith.addi %mul3A_383, %add3A_384 : i32
        %get3A_386 = arith.index_cast %add3A_385 : i32 to index
        %get3A_387 = tpu.vector_load %arg7[%get3A_386] {strides = array<i32>} : memref<12544xf32, #tpu.memory_space<vmem>>, vector<16xf32>,
        %add3A_388 = arith.constant 1.000000e+00 : f32
        %add3A_389 = vector.broadcast %add3A_388 : f32 to vector<16xf32>
        %add3A_390 = arith.addf %get3A_381, %add3A_389 : vector<16xf32>
        %mul3A_391 = arith.constant 5.000000e-01 : f32
        %mul3A_392 = vector.broadcast %mul3A_391 : f32 to vector<16xf32>
        %mul3A_393 = arith.mulf %mul3A_392, %add3A_390 : vector<16xf32>
        %mul3A_394 = arith.constant 2.240000e+02 : f32
        %mul3A_395 = vector.broadcast %mul3A_394 : f32 to vector<16xf32>
        %mul3A_396 = arith.mulf %mul3A_393, %mul3A_395 : vector<16xf32>
        %add3A_397 = arith.constant 1.000000e+00 : f32
        %add3A_398 = vector.broadcast %add3A_397 : f32 to vector<16xf32>
        %add3A_399 = arith.addf %get3A_387, %add3A_398 : vector<16xf32>
        %mul3A_400 = arith.constant 5.000000e-01 : f32
        %mul3A_401 = vector.broadcast %mul3A_400 : f32 to vector<16xf32>
        %mul3A_402 = arith.mulf %mul3A_401, %add3A_399 : vector<16xf32>
        %mul3A_403 = arith.constant 2.240000e+02 : f32
        %mul3A_404 = vector.broadcast %mul3A_403 : f32 to vector<16xf32>
        %mul3A_405 = arith.mulf %mul3A_402, %mul3A_404 : vector<16xf32>
        %convert_element_type3A_406 = arith.fptosi %mul3A_396 : vector<16xf32> to vector<16xi32>
        %convert_element_type3A_407 = arith.fptosi %mul3A_405 : vector<16xf32> to vector<16xi32>
        %jit3A_408 = arith.constant 0 : i32
        %jit3A_409 = arith.constant 223 : i32
        %max3A_410 = vector.broadcast %jit3A_408 : i32 to vector<16xi32>
        %max3A_411 = arith.maxsi %max3A_410, %convert_element_type3A_406 : vector<16xi32>
        %min3A_412 = vector.broadcast %jit3A_409 : i32 to vector<16xi32>
        %min3A_413 = arith.minsi %min3A_412, %max3A_411 : vector<16xi32>
        %add3A_414 = arith.constant 1 : i32
        %add3A_415 = vector.broadcast %add3A_414 : i32 to vector<16xi32>
        %add3A_416 = arith.addi %convert_element_type3A_406, %add3A_415 : vector<16xi32>
        %jit3A_417 = arith.constant 0 : i32
        %jit3A_418 = arith.constant 223 : i32
        %max3A_419 = vector.broadcast %jit3A_417 : i32 to vector<16xi32>
        %max3A_420 = arith.maxsi %max3A_419, %add3A_416 : vector<16xi32>
        %min3A_421 = vector.broadcast %jit3A_418 : i32 to vector<16xi32>
        %min3A_422 = arith.minsi %min3A_421, %max3A_420 : vector<16xi32>
        %jit3A_423 = arith.constant 0 : i32
        %jit3A_424 = arith.constant 223 : i32
        %max3A_425 = vector.broadcast %jit3A_423 : i32 to vector<16xi32>
        %max3A_426 = arith.maxsi %max3A_425, %convert_element_type3A_407 : vector<16xi32>
        %min3A_427 = vector.broadcast %jit3A_424 : i32 to vector<16xi32>
        %min3A_428 = arith.minsi %min3A_427, %max3A_426 : vector<16xi32>
        %add3A_429 = arith.constant 1 : i32
        %add3A_430 = vector.broadcast %add3A_429 : i32 to vector<16xi32>
        %add3A_431 = arith.addi %convert_element_type3A_407, %add3A_430 : vector<16xi32>
        %jit3A_432 = arith.constant 0 : i32
        %jit3A_433 = arith.constant 223 : i32
        %max3A_434 = vector.broadcast %jit3A_432 : i32 to vector<16xi32>
        %max3A_435 = arith.maxsi %max3A_434, %add3A_431 : vector<16xi32>
        %min3A_436 = vector.broadcast %jit3A_433 : i32 to vector<16xi32>
        %min3A_437 = arith.minsi %min3A_436, %max3A_435 : vector<16xi32>
        %convert_element_type3A_438 = arith.sitofp %min3A_413 : vector<16xi32> to vector<16xf32>
        %convert_element_type3A_439 = arith.sitofp %min3A_422 : vector<16xi32> to vector<16xf32>
        %convert_element_type3A_440 = arith.sitofp %min3A_428 : vector<16xi32> to vector<16xf32>
        %convert_element_type3A_441 = arith.sitofp %min3A_437 : vector<16xi32> to vector<16xf32>
        %mul3A_442 = arith.constant 224 : i32
        %mul3A_443 = vector.broadcast %mul3A_442 : i32 to vector<16xi32>
        %mul3A_444 = arith.muli %min3A_428, %mul3A_443 : vector<16xi32>
        %add3A_445 = vector.broadcast %mul3A_20 : i32 to vector<16xi32>
        %add3A_446 = arith.addi %add3A_445, %mul3A_444 : vector<16xi32>
        %add3A_447 = arith.addi %add3A_446, %min3A_413 : vector<16xi32>
        %mul3A_448 = arith.constant 224 : i32
        %mul3A_449 = vector.broadcast %mul3A_448 : i32 to vector<16xi32>
        %mul3A_450 = arith.muli %min3A_437, %mul3A_449 : vector<16xi32>
        %add3A_451 = vector.broadcast %mul3A_20 : i32 to vector<16xi32>
        %add3A_452 = arith.addi %add3A_451, %mul3A_450 : vector<16xi32>
        %add3A_453 = arith.addi %add3A_452, %min3A_413 : vector<16xi32>
        %sub3A_454 = arith.subi %min3A_422, %min3A_413 : vector<16xi32>
        %swap3A_455 = arith.constant 1 : i32
        %swap3A_456 = arith.index_cast %swap3A_455 : i32 to index
        %swap3A_457 = arith.constant 0 : index
        %swap3A_458 = tpu.vector_load %arg8[%swap3A_456, %swap3A_457] {strides = array<i32>} : memref<2x128xi32, #tpu.memory_space<vmem>>, vector<16xi32>,
        tpu.vector_store %arg8[%swap3A_456, %swap3A_457], %add3A_447 {strides = array<i32>} : memref<2x128xi32, #tpu.memory_space<vmem>>, vector<16xi32>,
        %swap3A_459 = arith.constant 1 : i32
        %swap3A_460 = arith.index_cast %swap3A_459 : i32 to index
        %swap3A_461 = arith.constant 16 : index
        %swap3A_462 = tpu.vector_load %arg8[%swap3A_460, %swap3A_461] {strides = array<i32>} : memref<2x128xi32, #tpu.memory_space<vmem>>, vector<16xi32>,
        tpu.vector_store %arg8[%swap3A_460, %swap3A_461], %add3A_453 {strides = array<i32>} : memref<2x128xi32, #tpu.memory_space<vmem>>, vector<16xi32>,
        %add3A_463 = arith.addi %add3A_447, %sub3A_454 : vector<16xi32>
        %swap3A_464 = arith.constant 1 : i32
        %swap3A_465 = arith.index_cast %swap3A_464 : i32 to index
        %swap3A_466 = arith.constant 32 : index
        %swap3A_467 = tpu.vector_load %arg8[%swap3A_465, %swap3A_466] {strides = array<i32>} : memref<2x128xi32, #tpu.memory_space<vmem>>, vector<16xi32>,
        tpu.vector_store %arg8[%swap3A_465, %swap3A_466], %add3A_463 {strides = array<i32>} : memref<2x128xi32, #tpu.memory_space<vmem>>, vector<16xi32>,
        %add3A_468 = arith.addi %add3A_453, %sub3A_454 : vector<16xi32>
        %swap3A_469 = arith.constant 1 : i32
        %swap3A_470 = arith.index_cast %swap3A_469 : i32 to index
        %swap3A_471 = arith.constant 48 : index
        %swap3A_472 = tpu.vector_load %arg8[%swap3A_470, %swap3A_471] {strides = array<i32>} : memref<2x128xi32, #tpu.memory_space<vmem>>, vector<16xi32>,
        tpu.vector_store %arg8[%swap3A_470, %swap3A_471], %add3A_468 {strides = array<i32>} : memref<2x128xi32, #tpu.memory_space<vmem>>, vector<16xi32>,
        %sub3A_473 = arith.subf %convert_element_type3A_439, %mul3A_396 : vector<16xf32>
        %sub3A_474 = arith.subf %convert_element_type3A_441, %mul3A_405 : vector<16xf32>
        %mul3A_475 = arith.mulf %sub3A_473, %sub3A_474 : vector<16xf32>
        %swap3A_476 = arith.constant 1 : i32
        %swap3A_477 = arith.index_cast %swap3A_476 : i32 to index
        %swap3A_478 = arith.constant 0 : index
        %swap3A_479 = tpu.vector_load %arg9[%swap3A_477, %swap3A_478] {strides = array<i32>} : memref<2x128xf32, #tpu.memory_space<vmem>>, vector<16xf32>,
        tpu.vector_store %arg9[%swap3A_477, %swap3A_478], %mul3A_475 {strides = array<i32>} : memref<2x128xf32, #tpu.memory_space<vmem>>, vector<16xf32>,
        %sub3A_480 = arith.subf %convert_element_type3A_439, %mul3A_396 : vector<16xf32>
        %sub3A_481 = arith.subf %mul3A_405, %convert_element_type3A_440 : vector<16xf32>
        %mul3A_482 = arith.mulf %sub3A_480, %sub3A_481 : vector<16xf32>
        %swap3A_483 = arith.constant 1 : i32
        %swap3A_484 = arith.index_cast %swap3A_483 : i32 to index
        %swap3A_485 = arith.constant 16 : index
        %swap3A_486 = tpu.vector_load %arg9[%swap3A_484, %swap3A_485] {strides = array<i32>} : memref<2x128xf32, #tpu.memory_space<vmem>>, vector<16xf32>,
        tpu.vector_store %arg9[%swap3A_484, %swap3A_485], %mul3A_482 {strides = array<i32>} : memref<2x128xf32, #tpu.memory_space<vmem>>, vector<16xf32>,
        %sub3A_487 = arith.subf %mul3A_396, %convert_element_type3A_438 : vector<16xf32>
        %sub3A_488 = arith.subf %convert_element_type3A_441, %mul3A_405 : vector<16xf32>
        %mul3A_489 = arith.mulf %sub3A_487, %sub3A_488 : vector<16xf32>
        %swap3A_490 = arith.constant 1 : i32
        %swap3A_491 = arith.index_cast %swap3A_490 : i32 to index
        %swap3A_492 = arith.constant 32 : index
        %swap3A_493 = tpu.vector_load %arg9[%swap3A_491, %swap3A_492] {strides = array<i32>} : memref<2x128xf32, #tpu.memory_space<vmem>>, vector<16xf32>,
        tpu.vector_store %arg9[%swap3A_491, %swap3A_492], %mul3A_489 {strides = array<i32>} : memref<2x128xf32, #tpu.memory_space<vmem>>, vector<16xf32>,
        %sub3A_494 = arith.subf %mul3A_396, %convert_element_type3A_438 : vector<16xf32>
        %sub3A_495 = arith.subf %mul3A_405, %convert_element_type3A_440 : vector<16xf32>
        %mul3A_496 = arith.mulf %sub3A_494, %sub3A_495 : vector<16xf32>
        %swap3A_497 = arith.constant 1 : i32
        %swap3A_498 = arith.index_cast %swap3A_497 : i32 to index
        %swap3A_499 = arith.constant 48 : index
        %swap3A_500 = tpu.vector_load %arg9[%swap3A_498, %swap3A_499] {strides = array<i32>} : memref<2x128xf32, #tpu.memory_space<vmem>>, vector<16xf32>,
        tpu.vector_store %arg9[%swap3A_498, %swap3A_499], %mul3A_496 {strides = array<i32>} : memref<2x128xf32, #tpu.memory_space<vmem>>, vector<16xf32>,
        %mul3A_501 = arith.constant 32 : i32
        %mul3A_502 = arith.muli %add3A_375, %mul3A_501 : i32
        %add3A_503 = arith.constant 16 : i32
        %add3A_504 = arith.addi %mul3A_502, %add3A_503 : i32
        %get3A_505 = arith.index_cast %add3A_504 : i32 to index
        %get3A_506 = tpu.vector_load %arg6[%get3A_505] {strides = array<i32>} : memref<12544xf32, #tpu.memory_space<vmem>>, vector<16xf32>,
        %mul3A_507 = arith.constant 32 : i32
        %mul3A_508 = arith.muli %add3A_375, %mul3A_507 : i32
        %add3A_509 = arith.constant 16 : i32
        %add3A_510 = arith.addi %mul3A_508, %add3A_509 : i32
        %get3A_511 = arith.index_cast %add3A_510 : i32 to index
        %get3A_512 = tpu.vector_load %arg7[%get3A_511] {strides = array<i32>} : memref<12544xf32, #tpu.memory_space<vmem>>, vector<16xf32>,
        %add3A_513 = arith.constant 1.000000e+00 : f32
        %add3A_514 = vector.broadcast %add3A_513 : f32 to vector<16xf32>
        %add3A_515 = arith.addf %get3A_506, %add3A_514 : vector<16xf32>
        %mul3A_516 = arith.constant 5.000000e-01 : f32
        %mul3A_517 = vector.broadcast %mul3A_516 : f32 to vector<16xf32>
        %mul3A_518 = arith.mulf %mul3A_517, %add3A_515 : vector<16xf32>
        %mul3A_519 = arith.constant 2.240000e+02 : f32
        %mul3A_520 = vector.broadcast %mul3A_519 : f32 to vector<16xf32>
        %mul3A_521 = arith.mulf %mul3A_518, %mul3A_520 : vector<16xf32>
        %add3A_522 = arith.constant 1.000000e+00 : f32
        %add3A_523 = vector.broadcast %add3A_522 : f32 to vector<16xf32>
        %add3A_524 = arith.addf %get3A_512, %add3A_523 : vector<16xf32>
        %mul3A_525 = arith.constant 5.000000e-01 : f32
        %mul3A_526 = vector.broadcast %mul3A_525 : f32 to vector<16xf32>
        %mul3A_527 = arith.mulf %mul3A_526, %add3A_524 : vector<16xf32>
        %mul3A_528 = arith.constant 2.240000e+02 : f32
        %mul3A_529 = vector.broadcast %mul3A_528 : f32 to vector<16xf32>
        %mul3A_530 = arith.mulf %mul3A_527, %mul3A_529 : vector<16xf32>
        %convert_element_type3A_531 = arith.fptosi %mul3A_521 : vector<16xf32> to vector<16xi32>
        %convert_element_type3A_532 = arith.fptosi %mul3A_530 : vector<16xf32> to vector<16xi32>
        %jit3A_533 = arith.constant 0 : i32
        %jit3A_534 = arith.constant 223 : i32
        %max3A_535 = vector.broadcast %jit3A_533 : i32 to vector<16xi32>
        %max3A_536 = arith.maxsi %max3A_535, %convert_element_type3A_531 : vector<16xi32>
        %min3A_537 = vector.broadcast %jit3A_534 : i32 to vector<16xi32>
        %min3A_538 = arith.minsi %min3A_537, %max3A_536 : vector<16xi32>
        %add3A_539 = arith.constant 1 : i32
        %add3A_540 = vector.broadcast %add3A_539 : i32 to vector<16xi32>
        %add3A_541 = arith.addi %convert_element_type3A_531, %add3A_540 : vector<16xi32>
        %jit3A_542 = arith.constant 0 : i32
        %jit3A_543 = arith.constant 223 : i32
        %max3A_544 = vector.broadcast %jit3A_542 : i32 to vector<16xi32>
        %max3A_545 = arith.maxsi %max3A_544, %add3A_541 : vector<16xi32>
        %min3A_546 = vector.broadcast %jit3A_543 : i32 to vector<16xi32>
        %min3A_547 = arith.minsi %min3A_546, %max3A_545 : vector<16xi32>
        %jit3A_548 = arith.constant 0 : i32
        %jit3A_549 = arith.constant 223 : i32
        %max3A_550 = vector.broadcast %jit3A_548 : i32 to vector<16xi32>
        %max3A_551 = arith.maxsi %max3A_550, %convert_element_type3A_532 : vector<16xi32>
        %min3A_552 = vector.broadcast %jit3A_549 : i32 to vector<16xi32>
        %min3A_553 = arith.minsi %min3A_552, %max3A_551 : vector<16xi32>
        %add3A_554 = arith.constant 1 : i32
        %add3A_555 = vector.broadcast %add3A_554 : i32 to vector<16xi32>
        %add3A_556 = arith.addi %convert_element_type3A_532, %add3A_555 : vector<16xi32>
        %jit3A_557 = arith.constant 0 : i32
        %jit3A_558 = arith.constant 223 : i32
        %max3A_559 = vector.broadcast %jit3A_557 : i32 to vector<16xi32>
        %max3A_560 = arith.maxsi %max3A_559, %add3A_556 : vector<16xi32>
        %min3A_561 = vector.broadcast %jit3A_558 : i32 to vector<16xi32>
        %min3A_562 = arith.minsi %min3A_561, %max3A_560 : vector<16xi32>
        %convert_element_type3A_563 = arith.sitofp %min3A_538 : vector<16xi32> to vector<16xf32>
        %convert_element_type3A_564 = arith.sitofp %min3A_547 : vector<16xi32> to vector<16xf32>
        %convert_element_type3A_565 = arith.sitofp %min3A_553 : vector<16xi32> to vector<16xf32>
        %convert_element_type3A_566 = arith.sitofp %min3A_562 : vector<16xi32> to vector<16xf32>
        %mul3A_567 = arith.constant 224 : i32
        %mul3A_568 = vector.broadcast %mul3A_567 : i32 to vector<16xi32>
        %mul3A_569 = arith.muli %min3A_553, %mul3A_568 : vector<16xi32>
        %add3A_570 = vector.broadcast %mul3A_20 : i32 to vector<16xi32>
        %add3A_571 = arith.addi %add3A_570, %mul3A_569 : vector<16xi32>
        %add3A_572 = arith.addi %add3A_571, %min3A_538 : vector<16xi32>
        %mul3A_573 = arith.constant 224 : i32
        %mul3A_574 = vector.broadcast %mul3A_573 : i32 to vector<16xi32>
        %mul3A_575 = arith.muli %min3A_562, %mul3A_574 : vector<16xi32>
        %add3A_576 = vector.broadcast %mul3A_20 : i32 to vector<16xi32>
        %add3A_577 = arith.addi %add3A_576, %mul3A_575 : vector<16xi32>
        %add3A_578 = arith.addi %add3A_577, %min3A_538 : vector<16xi32>
        %sub3A_579 = arith.subi %min3A_547, %min3A_538 : vector<16xi32>
        %swap3A_580 = arith.constant 1 : i32
        %swap3A_581 = arith.index_cast %swap3A_580 : i32 to index
        %swap3A_582 = arith.constant 64 : index
        %swap3A_583 = tpu.vector_load %arg8[%swap3A_581, %swap3A_582] {strides = array<i32>} : memref<2x128xi32, #tpu.memory_space<vmem>>, vector<16xi32>,
        tpu.vector_store %arg8[%swap3A_581, %swap3A_582], %add3A_572 {strides = array<i32>} : memref<2x128xi32, #tpu.memory_space<vmem>>, vector<16xi32>,
        %swap3A_584 = arith.constant 1 : i32
        %swap3A_585 = arith.index_cast %swap3A_584 : i32 to index
        %swap3A_586 = arith.constant 80 : index
        %swap3A_587 = tpu.vector_load %arg8[%swap3A_585, %swap3A_586] {strides = array<i32>} : memref<2x128xi32, #tpu.memory_space<vmem>>, vector<16xi32>,
        tpu.vector_store %arg8[%swap3A_585, %swap3A_586], %add3A_578 {strides = array<i32>} : memref<2x128xi32, #tpu.memory_space<vmem>>, vector<16xi32>,
        %add3A_588 = arith.addi %add3A_572, %sub3A_579 : vector<16xi32>
        %swap3A_589 = arith.constant 1 : i32
        %swap3A_590 = arith.index_cast %swap3A_589 : i32 to index
        %swap3A_591 = arith.constant 96 : index
        %swap3A_592 = tpu.vector_load %arg8[%swap3A_590, %swap3A_591] {strides = array<i32>} : memref<2x128xi32, #tpu.memory_space<vmem>>, vector<16xi32>,
        tpu.vector_store %arg8[%swap3A_590, %swap3A_591], %add3A_588 {strides = array<i32>} : memref<2x128xi32, #tpu.memory_space<vmem>>, vector<16xi32>,
        %add3A_593 = arith.addi %add3A_578, %sub3A_579 : vector<16xi32>
        %swap3A_594 = arith.constant 1 : i32
        %swap3A_595 = arith.index_cast %swap3A_594 : i32 to index
        %swap3A_596 = arith.constant 112 : index
        %swap3A_597 = tpu.vector_load %arg8[%swap3A_595, %swap3A_596] {strides = array<i32>} : memref<2x128xi32, #tpu.memory_space<vmem>>, vector<16xi32>,
        tpu.vector_store %arg8[%swap3A_595, %swap3A_596], %add3A_593 {strides = array<i32>} : memref<2x128xi32, #tpu.memory_space<vmem>>, vector<16xi32>,
        %sub3A_598 = arith.subf %convert_element_type3A_564, %mul3A_521 : vector<16xf32>
        %sub3A_599 = arith.subf %convert_element_type3A_566, %mul3A_530 : vector<16xf32>
        %mul3A_600 = arith.mulf %sub3A_598, %sub3A_599 : vector<16xf32>
        %swap3A_601 = arith.constant 1 : i32
        %swap3A_602 = arith.index_cast %swap3A_601 : i32 to index
        %swap3A_603 = arith.constant 64 : index
        %swap3A_604 = tpu.vector_load %arg9[%swap3A_602, %swap3A_603] {strides = array<i32>} : memref<2x128xf32, #tpu.memory_space<vmem>>, vector<16xf32>,
        tpu.vector_store %arg9[%swap3A_602, %swap3A_603], %mul3A_600 {strides = array<i32>} : memref<2x128xf32, #tpu.memory_space<vmem>>, vector<16xf32>,
        %sub3A_605 = arith.subf %convert_element_type3A_564, %mul3A_521 : vector<16xf32>
        %sub3A_606 = arith.subf %mul3A_530, %convert_element_type3A_565 : vector<16xf32>
        %mul3A_607 = arith.mulf %sub3A_605, %sub3A_606 : vector<16xf32>
        %swap3A_608 = arith.constant 1 : i32
        %swap3A_609 = arith.index_cast %swap3A_608 : i32 to index
        %swap3A_610 = arith.constant 80 : index
        %swap3A_611 = tpu.vector_load %arg9[%swap3A_609, %swap3A_610] {strides = array<i32>} : memref<2x128xf32, #tpu.memory_space<vmem>>, vector<16xf32>,
        tpu.vector_store %arg9[%swap3A_609, %swap3A_610], %mul3A_607 {strides = array<i32>} : memref<2x128xf32, #tpu.memory_space<vmem>>, vector<16xf32>,
        %sub3A_612 = arith.subf %mul3A_521, %convert_element_type3A_563 : vector<16xf32>
        %sub3A_613 = arith.subf %convert_element_type3A_566, %mul3A_530 : vector<16xf32>
        %mul3A_614 = arith.mulf %sub3A_612, %sub3A_613 : vector<16xf32>
        %swap3A_615 = arith.constant 1 : i32
        %swap3A_616 = arith.index_cast %swap3A_615 : i32 to index
        %swap3A_617 = arith.constant 96 : index
        %swap3A_618 = tpu.vector_load %arg9[%swap3A_616, %swap3A_617] {strides = array<i32>} : memref<2x128xf32, #tpu.memory_space<vmem>>, vector<16xf32>,
        tpu.vector_store %arg9[%swap3A_616, %swap3A_617], %mul3A_614 {strides = array<i32>} : memref<2x128xf32, #tpu.memory_space<vmem>>, vector<16xf32>,
        %sub3A_619 = arith.subf %mul3A_521, %convert_element_type3A_563 : vector<16xf32>
        %sub3A_620 = arith.subf %mul3A_530, %convert_element_type3A_565 : vector<16xf32>
        %mul3A_621 = arith.mulf %sub3A_619, %sub3A_620 : vector<16xf32>
        %swap3A_622 = arith.constant 1 : i32
        %swap3A_623 = arith.index_cast %swap3A_622 : i32 to index
        %swap3A_624 = arith.constant 112 : index
        %swap3A_625 = tpu.vector_load %arg9[%swap3A_623, %swap3A_624] {strides = array<i32>} : memref<2x128xf32, #tpu.memory_space<vmem>>, vector<16xf32>,
        tpu.vector_store %arg9[%swap3A_623, %swap3A_624], %mul3A_621 {strides = array<i32>} : memref<2x128xf32, #tpu.memory_space<vmem>>, vector<16xf32>,
        %dma_start3A_626 = arith.constant 1 : i32
        %dma_start3A_627 = arith.constant 128 : i32
        %dma_start3A_628 = arith.constant 0 : i32
        %dma_start3A_629 = tpu.memref_slice %arg10[%dma_start3A_627, %dma_start3A_628] : memref<256x96xf32, #tpu.memory_space<vmem>> -> memref<128x96xf32, #tpu.memory_space<vmem>>
        %dma_start3A_630 = arith.constant 0 : i32
        %dma_start3A_631 = tpu.memref_slice %arg8[%dma_start3A_626, %dma_start3A_630] : memref<2x128xi32, #tpu.memory_space<vmem>> -> memref<1x128xi32, #tpu.memory_space<vmem>>
        %dma_start3A_632 = tpu.memref_squeeze %dma_start3A_631 : memref<1x128xi32, #tpu.memory_space<vmem>> -> memref<128xi32, #tpu.memory_space<vmem>>
        %dma_start3A_633 = arith.constant 0 : i32
        %dma_start3A_634 = arith.constant 0 : i32
        %dma_start3A_635 = tpu.memref_slice %arg2[%dma_start3A_633, %dma_start3A_634] : memref<401408x96xf32, #tpu.memory_space<hbm>> -> memref<401408x96xf32, #tpu.memory_space<hbm>>
        tpu.enqueue_indirect_dma source(%dma_start3A_635 : memref<401408x96xf32, #tpu.memory_space<hbm>>) target(%dma_start3A_629 : memref<128x96xf32, #tpu.memory_space<vmem>>) offsets(%dma_start3A_632 : memref<128xi32, #tpu.memory_space<vmem>>) semaphore(%arg13 : memref<!tpu.dma_semaphore, #tpu.memory_space<semaphore_mem>>)
      } else {
      }
      %dma_wait3A_293 = arith.constant 0 : i32
      %dma_wait3A_294 = arith.constant 0 : i32
      %dma_wait3A_295 = arith.constant 0 : i32
      %dma_wait3A_296 = tpu.memref_slice %arg10[%dma_wait3A_294, %dma_wait3A_295] : memref<256x96xf32, #tpu.memory_space<vmem>> -> memref<128x96xf32, #tpu.memory_space<vmem>>
      %dma_wait3A_297 = arith.constant 0 : i32
      %dma_wait3A_298 = tpu.memref_slice %arg8[%dma_wait3A_293, %dma_wait3A_297] : memref<2x128xi32, #tpu.memory_space<vmem>> -> memref<1x128xi32, #tpu.memory_space<vmem>>
      %dma_wait3A_299 = tpu.memref_squeeze %dma_wait3A_298 : memref<1x128xi32, #tpu.memory_space<vmem>> -> memref<128xi32, #tpu.memory_space<vmem>>
      %dma_wait3A_300 = arith.constant 0 : i32
      %dma_wait3A_301 = arith.constant 0 : i32
      %dma_wait3A_302 = tpu.memref_slice %arg2[%dma_wait3A_300, %dma_wait3A_301] : memref<401408x96xf32, #tpu.memory_space<hbm>> -> memref<401408x96xf32, #tpu.memory_space<hbm>>
      tpu.wait_indirect_dma semaphore(%arg12 : memref<!tpu.dma_semaphore, #tpu.memory_space<semaphore_mem>>) src(%dma_wait3A_302 : memref<401408x96xf32, #tpu.memory_space<hbm>>) dst(%dma_wait3A_296 : memref<128x96xf32, #tpu.memory_space<vmem>>)
      %ge3A = arith.constant 2 : i32
      %ge3A_303 = arith.cmpi sge, %add3A_287, %ge3A : i32
      %convert_element_type3A_304 = arith.extui %ge3A_303 : i1 to i32
      %cond3A_305 = arith.constant 0 : i32
      %cond3A_306 = arith.cmpi ne, %convert_element_type3A_304, %cond3A_305 : i32
      scf.if %cond3A_306 {
        %dma_wait3A_374 = arith.constant 0 : i32
        %dma_wait3A_375 = arith.constant 0 : i32
        %dma_wait3A_376 = tpu.memref_slice %arg11[%dma_wait3A_374, %dma_wait3A_375] : memref<64x96xf32, #tpu.memory_space<vmem>> -> memref<32x96xf32, #tpu.memory_space<vmem>>
        %dma_wait3A_377 = arith.constant 0 : i32
        %dma_wait3A_378 = tpu.memref_slice %arg5[%mul3A_2, %dma_wait3A_377] : memref<401408x96xf32, #tpu.memory_space<hbm>> -> memref<32x96xf32, #tpu.memory_space<hbm>>
        %dma_wait3A_379 = arith.constant 0 : i32
        %dma_wait3A_380 = tpu.memref_slice %arg5[%mul3A_2, %dma_wait3A_379] : memref<401408x96xf32, #tpu.memory_space<hbm>> -> memref<32x96xf32, #tpu.memory_space<hbm>>
        %dma_wait3A_381 = arith.constant 0 : i32
        %dma_wait3A_382 = arith.constant 0 : i32
        %dma_wait3A_383 = tpu.memref_slice %arg11[%dma_wait3A_381, %dma_wait3A_382] : memref<64x96xf32, #tpu.memory_space<vmem>> -> memref<32x96xf32, #tpu.memory_space<vmem>>
        tpu.wait_dma2 semaphore(%arg14 : memref<!tpu.dma_semaphore, #tpu.memory_space<semaphore_mem>>) src(%dma_wait3A_383 : memref<32x96xf32, #tpu.memory_space<vmem>>) dst(%dma_wait3A_380 : memref<32x96xf32, #tpu.memory_space<hbm>>)
      } else {
      }
      %broadcast_in_dim3A = arith.constant 0 : i32
      %broadcast_in_dim3A_307 = vector.broadcast %broadcast_in_dim3A : i32 to vector<16xi32>
      %scan3A_308 = arith.constant 0 : i32
      %scan3A_309 = arith.constant 0 : i32
      %scan3A_310 = arith.constant 32 : i32
      %scan3A_311 = arith.addi %scan3A_309, %scan3A_310 : i32
      %scan3A_312 = arith.constant 1 : i32
      scf.for %scan3A_374 = %scan3A_309 to %scan3A_311 step %scan3A_312  : i32 {
        %jit3A_375 = arith.constant 16 : i32
        %div3A_376 = arith.divsi %scan3A_374, %jit3A_375 : i32
        %sign3A_377 = arith.constant 0 : i32
        %sign3A_378 = arith.cmpi sgt, %scan3A_374, %sign3A_377 : i32
        %sign3A_379 = arith.extui %sign3A_378 : i1 to i32
        %sign3A_380 = arith.constant 0 : i32
        %sign3A_381 = arith.cmpi slt, %scan3A_374, %sign3A_380 : i32
        %sign3A_382 = arith.extui %sign3A_381 : i1 to i32
        %sign3A_383 = arith.subi %sign3A_379, %sign3A_382 : i32
        %sign3A_384 = arith.constant 0 : i32
        %sign3A_385 = arith.cmpi sgt, %jit3A_375, %sign3A_384 : i32
        %sign3A_386 = arith.extui %sign3A_385 : i1 to i32
        %sign3A_387 = arith.constant 0 : i32
        %sign3A_388 = arith.cmpi slt, %jit3A_375, %sign3A_387 : i32
        %sign3A_389 = arith.extui %sign3A_388 : i1 to i32
        %sign3A_390 = arith.subi %sign3A_386, %sign3A_389 : i32
        %ne3A_391 = arith.cmpi ne, %sign3A_383, %sign3A_390 : i32
        %rem3A_392 = arith.remsi %scan3A_374, %jit3A_375 : i32
        %ne3A_393 = arith.constant 0 : i32
        %ne3A_394 = arith.cmpi ne, %rem3A_392, %ne3A_393 : i32
        %and3A_395 = arith.andi %ne3A_391, %ne3A_394 : i1
        %sub3A_396 = arith.constant 1 : i32
        %sub3A_397 = arith.subi %div3A_376, %sub3A_396 : i32
        %select_n3A_398 = arith.select %and3A_395, %sub3A_397, %div3A_376 : i32
        %mul3A_399 = arith.constant 64 : i32
        %mul3A_400 = arith.muli %select_n3A_398, %mul3A_399 : i32
        %jit3A_401 = arith.constant 16 : i32
        %eq3A = arith.constant 0 : i32
        %eq3A_402 = arith.cmpi eq, %jit3A_401, %eq3A : i32
        %jit3A_403 = arith.constant 1 : i32
        %select_n3A_404 = arith.select %eq3A_402, %jit3A_403, %jit3A_401 : i32
        %rem3A_405 = arith.remsi %scan3A_374, %select_n3A_404 : i32
        %ne3A_406 = arith.constant 0 : i32
        %ne3A_407 = arith.cmpi ne, %rem3A_405, %ne3A_406 : i32
        %lt3A_408 = arith.constant 0 : i32
        %lt3A_409 = arith.cmpi slt, %rem3A_405, %lt3A_408 : i32
        %lt3A_410 = arith.constant 0 : i32
        %lt3A_411 = arith.cmpi slt, %select_n3A_404, %lt3A_410 : i32
        %ne3A_412 = arith.xori %lt3A_409, %lt3A_411 : i1
        %and3A_413 = arith.andi %ne3A_412, %ne3A_407 : i1
        %add3A_414 = arith.addi %rem3A_405, %select_n3A_404 : i32
        %select_n3A_415 = arith.select %and3A_413, %add3A_414, %rem3A_405 : i32
        %add3A_416 = arith.addi %mul3A_400, %select_n3A_415 : i32
        %broadcast_in_dim3A_417 = vector.broadcast %add3A_416 : i32 to vector<16xi32>
        %gather3A = tpu.vector_load_idx %arg9[%broadcast_in_dim3A_307, %broadcast_in_dim3A_417] : memref<2x128xf32, #tpu.memory_space<vmem>>[vector<16xi32>, vector<16xi32>], vector<16xf32>,
        %add3A_418 = arith.constant 16 : i32
        %add3A_419 = vector.broadcast %add3A_418 : i32 to vector<16xi32>
        %add3A_420 = arith.addi %broadcast_in_dim3A_417, %add3A_419 : vector<16xi32>
        %gather3A_421 = tpu.vector_load_idx %arg9[%broadcast_in_dim3A_307, %add3A_420] : memref<2x128xf32, #tpu.memory_space<vmem>>[vector<16xi32>, vector<16xi32>], vector<16xf32>,
        %add3A_422 = arith.constant 32 : i32
        %add3A_423 = vector.broadcast %add3A_422 : i32 to vector<16xi32>
        %add3A_424 = arith.addi %broadcast_in_dim3A_417, %add3A_423 : vector<16xi32>
        %gather3A_425 = tpu.vector_load_idx %arg9[%broadcast_in_dim3A_307, %add3A_424] : memref<2x128xf32, #tpu.memory_space<vmem>>[vector<16xi32>, vector<16xi32>], vector<16xf32>,
        %add3A_426 = arith.constant 48 : i32
        %add3A_427 = vector.broadcast %add3A_426 : i32 to vector<16xi32>
        %add3A_428 = arith.addi %broadcast_in_dim3A_417, %add3A_427 : vector<16xi32>
        %gather3A_429 = tpu.vector_load_idx %arg9[%broadcast_in_dim3A_307, %add3A_428] : memref<2x128xf32, #tpu.memory_space<vmem>>[vector<16xi32>, vector<16xi32>], vector<16xf32>,
        %add3A_430 = arith.constant 0 : i32
        %add3A_431 = arith.addi %add3A_430, %add3A_416 : i32
        %get3A_432 = arith.index_cast %add3A_431 : i32 to index
        %get3A_433 = arith.constant 0 : index
        %get3A_434 = tpu.vector_load %arg10[%get3A_432, %get3A_433] {strides = array<i32>} : memref<256x96xf32, #tpu.memory_space<vmem>>, vector<16xf32>,
        %add3A_435 = arith.constant 16 : i32
        %add3A_436 = arith.addi %add3A_431, %add3A_435 : i32
        %get3A_437 = arith.index_cast %add3A_436 : i32 to index
        %get3A_438 = arith.constant 0 : index
        %get3A_439 = tpu.vector_load %arg10[%get3A_437, %get3A_438] {strides = array<i32>} : memref<256x96xf32, #tpu.memory_space<vmem>>, vector<16xf32>,
        %add3A_440 = arith.constant 32 : i32
        %add3A_441 = arith.addi %add3A_431, %add3A_440 : i32
        %get3A_442 = arith.index_cast %add3A_441 : i32 to index
        %get3A_443 = arith.constant 0 : index
        %get3A_444 = tpu.vector_load %arg10[%get3A_442, %get3A_443] {strides = array<i32>} : memref<256x96xf32, #tpu.memory_space<vmem>>, vector<16xf32>,
        %add3A_445 = arith.constant 48 : i32
        %add3A_446 = arith.addi %add3A_431, %add3A_445 : i32
        %get3A_447 = arith.index_cast %add3A_446 : i32 to index
        %get3A_448 = arith.constant 0 : index
        %get3A_449 = tpu.vector_load %arg10[%get3A_447, %get3A_448] {strides = array<i32>} : memref<256x96xf32, #tpu.memory_space<vmem>>, vector<16xf32>,
        %mul3A_450 = arith.mulf %gather3A, %get3A_434 : vector<16xf32>
        %mul3A_451 = arith.mulf %gather3A_421, %get3A_439 : vector<16xf32>
        %add3A_452 = arith.addf %mul3A_450, %mul3A_451 : vector<16xf32>
        %mul3A_453 = arith.mulf %gather3A_425, %get3A_444 : vector<16xf32>
        %add3A_454 = arith.addf %add3A_452, %mul3A_453 : vector<16xf32>
        %mul3A_455 = arith.mulf %gather3A_429, %get3A_449 : vector<16xf32>
        %add3A_456 = arith.addf %add3A_454, %mul3A_455 : vector<16xf32>
        %add3A_457 = arith.constant 0 : i32
        %add3A_458 = arith.addi %add3A_457, %scan3A_374 : i32
        %swap3A_459 = arith.index_cast %add3A_458 : i32 to index
        %swap3A_460 = arith.constant 0 : index
        %swap3A_461 = tpu.vector_load %arg11[%swap3A_459, %swap3A_460] {strides = array<i32>} : memref<64x96xf32, #tpu.memory_space<vmem>>, vector<16xf32>,
        tpu.vector_store %arg11[%swap3A_459, %swap3A_460], %add3A_456 {strides = array<i32>} : memref<64x96xf32, #tpu.memory_space<vmem>>, vector<16xf32>,
        %get3A_462 = arith.index_cast %add3A_431 : i32 to index
        %get3A_463 = arith.constant 16 : index
        %get3A_464 = tpu.vector_load %arg10[%get3A_462, %get3A_463] {strides = array<i32>} : memref<256x96xf32, #tpu.memory_space<vmem>>, vector<16xf32>,
        %add3A_465 = arith.constant 16 : i32
        %add3A_466 = arith.addi %add3A_431, %add3A_465 : i32
        %get3A_467 = arith.index_cast %add3A_466 : i32 to index
        %get3A_468 = arith.constant 16 : index
        %get3A_469 = tpu.vector_load %arg10[%get3A_467, %get3A_468] {strides = array<i32>} : memref<256x96xf32, #tpu.memory_space<vmem>>, vector<16xf32>,
        %add3A_470 = arith.constant 32 : i32
        %add3A_471 = arith.addi %add3A_431, %add3A_470 : i32
        %get3A_472 = arith.index_cast %add3A_471 : i32 to index
        %get3A_473 = arith.constant 16 : index
        %get3A_474 = tpu.vector_load %arg10[%get3A_472, %get3A_473] {strides = array<i32>} : memref<256x96xf32, #tpu.memory_space<vmem>>, vector<16xf32>,
        %add3A_475 = arith.constant 48 : i32
        %add3A_476 = arith.addi %add3A_431, %add3A_475 : i32
        %get3A_477 = arith.index_cast %add3A_476 : i32 to index
        %get3A_478 = arith.constant 16 : index
        %get3A_479 = tpu.vector_load %arg10[%get3A_477, %get3A_478] {strides = array<i32>} : memref<256x96xf32, #tpu.memory_space<vmem>>, vector<16xf32>,
        %mul3A_480 = arith.mulf %gather3A, %get3A_464 : vector<16xf32>
        %mul3A_481 = arith.mulf %gather3A_421, %get3A_469 : vector<16xf32>
        %add3A_482 = arith.addf %mul3A_480, %mul3A_481 : vector<16xf32>
        %mul3A_483 = arith.mulf %gather3A_425, %get3A_474 : vector<16xf32>
        %add3A_484 = arith.addf %add3A_482, %mul3A_483 : vector<16xf32>
        %mul3A_485 = arith.mulf %gather3A_429, %get3A_479 : vector<16xf32>
        %add3A_486 = arith.addf %add3A_484, %mul3A_485 : vector<16xf32>
        %add3A_487 = arith.constant 0 : i32
        %add3A_488 = arith.addi %add3A_487, %scan3A_374 : i32
        %swap3A_489 = arith.index_cast %add3A_488 : i32 to index
        %swap3A_490 = arith.constant 16 : index
        %swap3A_491 = tpu.vector_load %arg11[%swap3A_489, %swap3A_490] {strides = array<i32>} : memref<64x96xf32, #tpu.memory_space<vmem>>, vector<16xf32>,
        tpu.vector_store %arg11[%swap3A_489, %swap3A_490], %add3A_486 {strides = array<i32>} : memref<64x96xf32, #tpu.memory_space<vmem>>, vector<16xf32>,
        %get3A_492 = arith.index_cast %add3A_431 : i32 to index
        %get3A_493 = arith.constant 32 : index
        %get3A_494 = tpu.vector_load %arg10[%get3A_492, %get3A_493] {strides = array<i32>} : memref<256x96xf32, #tpu.memory_space<vmem>>, vector<16xf32>,
        %add3A_495 = arith.constant 16 : i32
        %add3A_496 = arith.addi %add3A_431, %add3A_495 : i32
        %get3A_497 = arith.index_cast %add3A_496 : i32 to index
        %get3A_498 = arith.constant 32 : index
        %get3A_499 = tpu.vector_load %arg10[%get3A_497, %get3A_498] {strides = array<i32>} : memref<256x96xf32, #tpu.memory_space<vmem>>, vector<16xf32>,
        %add3A_500 = arith.constant 32 : i32
        %add3A_501 = arith.addi %add3A_431, %add3A_500 : i32
        %get3A_502 = arith.index_cast %add3A_501 : i32 to index
        %get3A_503 = arith.constant 32 : index
        %get3A_504 = tpu.vector_load %arg10[%get3A_502, %get3A_503] {strides = array<i32>} : memref<256x96xf32, #tpu.memory_space<vmem>>, vector<16xf32>,
        %add3A_505 = arith.constant 48 : i32
        %add3A_506 = arith.addi %add3A_431, %add3A_505 : i32
        %get3A_507 = arith.index_cast %add3A_506 : i32 to index
        %get3A_508 = arith.constant 32 : index
        %get3A_509 = tpu.vector_load %arg10[%get3A_507, %get3A_508] {strides = array<i32>} : memref<256x96xf32, #tpu.memory_space<vmem>>, vector<16xf32>,
        %mul3A_510 = arith.mulf %gather3A, %get3A_494 : vector<16xf32>
        %mul3A_511 = arith.mulf %gather3A_421, %get3A_499 : vector<16xf32>
        %add3A_512 = arith.addf %mul3A_510, %mul3A_511 : vector<16xf32>
        %mul3A_513 = arith.mulf %gather3A_425, %get3A_504 : vector<16xf32>
        %add3A_514 = arith.addf %add3A_512, %mul3A_513 : vector<16xf32>
        %mul3A_515 = arith.mulf %gather3A_429, %get3A_509 : vector<16xf32>
        %add3A_516 = arith.addf %add3A_514, %mul3A_515 : vector<16xf32>
        %add3A_517 = arith.constant 0 : i32
        %add3A_518 = arith.addi %add3A_517, %scan3A_374 : i32
        %swap3A_519 = arith.index_cast %add3A_518 : i32 to index
        %swap3A_520 = arith.constant 32 : index
        %swap3A_521 = tpu.vector_load %arg11[%swap3A_519, %swap3A_520] {strides = array<i32>} : memref<64x96xf32, #tpu.memory_space<vmem>>, vector<16xf32>,
        tpu.vector_store %arg11[%swap3A_519, %swap3A_520], %add3A_516 {strides = array<i32>} : memref<64x96xf32, #tpu.memory_space<vmem>>, vector<16xf32>,
        %get3A_522 = arith.index_cast %add3A_431 : i32 to index
        %get3A_523 = arith.constant 48 : index
        %get3A_524 = tpu.vector_load %arg10[%get3A_522, %get3A_523] {strides = array<i32>} : memref<256x96xf32, #tpu.memory_space<vmem>>, vector<16xf32>,
        %add3A_525 = arith.constant 16 : i32
        %add3A_526 = arith.addi %add3A_431, %add3A_525 : i32
        %get3A_527 = arith.index_cast %add3A_526 : i32 to index
        %get3A_528 = arith.constant 48 : index
        %get3A_529 = tpu.vector_load %arg10[%get3A_527, %get3A_528] {strides = array<i32>} : memref<256x96xf32, #tpu.memory_space<vmem>>, vector<16xf32>,
        %add3A_530 = arith.constant 32 : i32
        %add3A_531 = arith.addi %add3A_431, %add3A_530 : i32
        %get3A_532 = arith.index_cast %add3A_531 : i32 to index
        %get3A_533 = arith.constant 48 : index
        %get3A_534 = tpu.vector_load %arg10[%get3A_532, %get3A_533] {strides = array<i32>} : memref<256x96xf32, #tpu.memory_space<vmem>>, vector<16xf32>,
        %add3A_535 = arith.constant 48 : i32
        %add3A_536 = arith.addi %add3A_431, %add3A_535 : i32
        %get3A_537 = arith.index_cast %add3A_536 : i32 to index
        %get3A_538 = arith.constant 48 : index
        %get3A_539 = tpu.vector_load %arg10[%get3A_537, %get3A_538] {strides = array<i32>} : memref<256x96xf32, #tpu.memory_space<vmem>>, vector<16xf32>,
        %mul3A_540 = arith.mulf %gather3A, %get3A_524 : vector<16xf32>
        %mul3A_541 = arith.mulf %gather3A_421, %get3A_529 : vector<16xf32>
        %add3A_542 = arith.addf %mul3A_540, %mul3A_541 : vector<16xf32>
        %mul3A_543 = arith.mulf %gather3A_425, %get3A_534 : vector<16xf32>
        %add3A_544 = arith.addf %add3A_542, %mul3A_543 : vector<16xf32>
        %mul3A_545 = arith.mulf %gather3A_429, %get3A_539 : vector<16xf32>
        %add3A_546 = arith.addf %add3A_544, %mul3A_545 : vector<16xf32>
        %add3A_547 = arith.constant 0 : i32
        %add3A_548 = arith.addi %add3A_547, %scan3A_374 : i32
        %swap3A_549 = arith.index_cast %add3A_548 : i32 to index
        %swap3A_550 = arith.constant 48 : index
        %swap3A_551 = tpu.vector_load %arg11[%swap3A_549, %swap3A_550] {strides = array<i32>} : memref<64x96xf32, #tpu.memory_space<vmem>>, vector<16xf32>,
        tpu.vector_store %arg11[%swap3A_549, %swap3A_550], %add3A_546 {strides = array<i32>} : memref<64x96xf32, #tpu.memory_space<vmem>>, vector<16xf32>,
        %get3A_552 = arith.index_cast %add3A_431 : i32 to index
        %get3A_553 = arith.constant 64 : index
        %get3A_554 = tpu.vector_load %arg10[%get3A_552, %get3A_553] {strides = array<i32>} : memref<256x96xf32, #tpu.memory_space<vmem>>, vector<16xf32>,
        %add3A_555 = arith.constant 16 : i32
        %add3A_556 = arith.addi %add3A_431, %add3A_555 : i32
        %get3A_557 = arith.index_cast %add3A_556 : i32 to index
        %get3A_558 = arith.constant 64 : index
        %get3A_559 = tpu.vector_load %arg10[%get3A_557, %get3A_558] {strides = array<i32>} : memref<256x96xf32, #tpu.memory_space<vmem>>, vector<16xf32>,
        %add3A_560 = arith.constant 32 : i32
        %add3A_561 = arith.addi %add3A_431, %add3A_560 : i32
        %get3A_562 = arith.index_cast %add3A_561 : i32 to index
        %get3A_563 = arith.constant 64 : index
        %get3A_564 = tpu.vector_load %arg10[%get3A_562, %get3A_563] {strides = array<i32>} : memref<256x96xf32, #tpu.memory_space<vmem>>, vector<16xf32>,
        %add3A_565 = arith.constant 48 : i32
        %add3A_566 = arith.addi %add3A_431, %add3A_565 : i32
        %get3A_567 = arith.index_cast %add3A_566 : i32 to index
        %get3A_568 = arith.constant 64 : index
        %get3A_569 = tpu.vector_load %arg10[%get3A_567, %get3A_568] {strides = array<i32>} : memref<256x96xf32, #tpu.memory_space<vmem>>, vector<16xf32>,
        %mul3A_570 = arith.mulf %gather3A, %get3A_554 : vector<16xf32>
        %mul3A_571 = arith.mulf %gather3A_421, %get3A_559 : vector<16xf32>
        %add3A_572 = arith.addf %mul3A_570, %mul3A_571 : vector<16xf32>
        %mul3A_573 = arith.mulf %gather3A_425, %get3A_564 : vector<16xf32>
        %add3A_574 = arith.addf %add3A_572, %mul3A_573 : vector<16xf32>
        %mul3A_575 = arith.mulf %gather3A_429, %get3A_569 : vector<16xf32>
        %add3A_576 = arith.addf %add3A_574, %mul3A_575 : vector<16xf32>
        %add3A_577 = arith.constant 0 : i32
        %add3A_578 = arith.addi %add3A_577, %scan3A_374 : i32
        %swap3A_579 = arith.index_cast %add3A_578 : i32 to index
        %swap3A_580 = arith.constant 64 : index
        %swap3A_581 = tpu.vector_load %arg11[%swap3A_579, %swap3A_580] {strides = array<i32>} : memref<64x96xf32, #tpu.memory_space<vmem>>, vector<16xf32>,
        tpu.vector_store %arg11[%swap3A_579, %swap3A_580], %add3A_576 {strides = array<i32>} : memref<64x96xf32, #tpu.memory_space<vmem>>, vector<16xf32>,
        %get3A_582 = arith.index_cast %add3A_431 : i32 to index
        %get3A_583 = arith.constant 80 : index
        %get3A_584 = tpu.vector_load %arg10[%get3A_582, %get3A_583] {strides = array<i32>} : memref<256x96xf32, #tpu.memory_space<vmem>>, vector<16xf32>,
        %add3A_585 = arith.constant 16 : i32
        %add3A_586 = arith.addi %add3A_431, %add3A_585 : i32
        %get3A_587 = arith.index_cast %add3A_586 : i32 to index
        %get3A_588 = arith.constant 80 : index
        %get3A_589 = tpu.vector_load %arg10[%get3A_587, %get3A_588] {strides = array<i32>} : memref<256x96xf32, #tpu.memory_space<vmem>>, vector<16xf32>,
        %add3A_590 = arith.constant 32 : i32
        %add3A_591 = arith.addi %add3A_431, %add3A_590 : i32
        %get3A_592 = arith.index_cast %add3A_591 : i32 to index
        %get3A_593 = arith.constant 80 : index
        %get3A_594 = tpu.vector_load %arg10[%get3A_592, %get3A_593] {strides = array<i32>} : memref<256x96xf32, #tpu.memory_space<vmem>>, vector<16xf32>,
        %add3A_595 = arith.constant 48 : i32
        %add3A_596 = arith.addi %add3A_431, %add3A_595 : i32
        %get3A_597 = arith.index_cast %add3A_596 : i32 to index
        %get3A_598 = arith.constant 80 : index
        %get3A_599 = tpu.vector_load %arg10[%get3A_597, %get3A_598] {strides = array<i32>} : memref<256x96xf32, #tpu.memory_space<vmem>>, vector<16xf32>,
        %mul3A_600 = arith.mulf %gather3A, %get3A_584 : vector<16xf32>
        %mul3A_601 = arith.mulf %gather3A_421, %get3A_589 : vector<16xf32>
        %add3A_602 = arith.addf %mul3A_600, %mul3A_601 : vector<16xf32>
        %mul3A_603 = arith.mulf %gather3A_425, %get3A_594 : vector<16xf32>
        %add3A_604 = arith.addf %add3A_602, %mul3A_603 : vector<16xf32>
        %mul3A_605 = arith.mulf %gather3A_429, %get3A_599 : vector<16xf32>
        %add3A_606 = arith.addf %add3A_604, %mul3A_605 : vector<16xf32>
        %add3A_607 = arith.constant 0 : i32
        %add3A_608 = arith.addi %add3A_607, %scan3A_374 : i32
        %swap3A_609 = arith.index_cast %add3A_608 : i32 to index
        %swap3A_610 = arith.constant 80 : index
        %swap3A_611 = tpu.vector_load %arg11[%swap3A_609, %swap3A_610] {strides = array<i32>} : memref<64x96xf32, #tpu.memory_space<vmem>>, vector<16xf32>,
        tpu.vector_store %arg11[%swap3A_609, %swap3A_610], %add3A_606 {strides = array<i32>} : memref<64x96xf32, #tpu.memory_space<vmem>>, vector<16xf32>,
      }
      %scan3A_313 = arith.constant 32 : i32
      %mul3A_314 = arith.constant 32 : i32
      %mul3A_315 = arith.muli %add3A_287, %mul3A_314 : i32
      %add3A_316 = arith.addi %mul3A_2, %mul3A_315 : i32
      %dma_start3A_317 = arith.constant 0 : i32
      %dma_start3A_318 = arith.constant 0 : i32
      %dma_start3A_319 = tpu.memref_slice %arg11[%dma_start3A_317, %dma_start3A_318] : memref<64x96xf32, #tpu.memory_space<vmem>> -> memref<32x96xf32, #tpu.memory_space<vmem>>
      %dma_start3A_320 = arith.constant 0 : i32
      %dma_start3A_321 = tpu.memref_slice %arg5[%add3A_316, %dma_start3A_320] : memref<401408x96xf32, #tpu.memory_space<hbm>> -> memref<32x96xf32, #tpu.memory_space<hbm>>
      %dma_start3A_322 = arith.constant 0 : i32
      %dma_start3A_323 = tpu.memref_slice %arg5[%add3A_316, %dma_start3A_322] : memref<401408x96xf32, #tpu.memory_space<hbm>> -> memref<32x96xf32, #tpu.memory_space<hbm>>
      %dma_start3A_324 = arith.constant 0 : i32
      %dma_start3A_325 = arith.constant 0 : i32
      %dma_start3A_326 = tpu.memref_slice %arg11[%dma_start3A_324, %dma_start3A_325] : memref<64x96xf32, #tpu.memory_space<vmem>> -> memref<32x96xf32, #tpu.memory_space<vmem>>
      tpu.enqueue_dma source(%dma_start3A_326 : memref<32x96xf32, #tpu.memory_space<vmem>>) target(%dma_start3A_323 : memref<32x96xf32, #tpu.memory_space<hbm>>) target_semaphore(%arg14 : memref<!tpu.dma_semaphore, #tpu.memory_space<semaphore_mem>>)
      %mul3A_327 = arith.constant 2 : i32
      %mul3A_328 = arith.muli %mul3A_327, %scan3A_283 : i32
      %add3A_329 = arith.constant 1 : i32
      %add3A_330 = arith.addi %mul3A_328, %add3A_329 : i32
      %add3A_331 = arith.constant 1 : i32
      %add3A_332 = arith.addi %add3A_330, %add3A_331 : i32
      %lt3A_333 = arith.constant 392 : i32
      %lt3A_334 = arith.cmpi slt, %add3A_332, %lt3A_333 : i32
      %convert_element_type3A_335 = arith.extui %lt3A_334 : i1 to i32
      %cond3A_336 = arith.constant 0 : i32
      %cond3A_337 = arith.cmpi ne, %convert_element_type3A_335, %cond3A_336 : i32
      scf.if %cond3A_337 {
        %add3A_374 = arith.constant 1 : i32
        %add3A_375 = arith.addi %add3A_330, %add3A_374 : i32
        %mul3A_376 = arith.constant 32 : i32
        %mul3A_377 = arith.muli %add3A_375, %mul3A_376 : i32
        %add3A_378 = arith.constant 0 : i32
        %add3A_379 = arith.addi %mul3A_377, %add3A_378 : i32
        %get3A_380 = arith.index_cast %add3A_379 : i32 to index
        %get3A_381 = tpu.vector_load %arg6[%get3A_380] {strides = array<i32>} : memref<12544xf32, #tpu.memory_space<vmem>>, vector<16xf32>,
        %mul3A_382 = arith.constant 32 : i32
        %mul3A_383 = arith.muli %add3A_375, %mul3A_382 : i32
        %add3A_384 = arith.constant 0 : i32
        %add3A_385 = arith.addi %mul3A_383, %add3A_384 : i32
        %get3A_386 = arith.index_cast %add3A_385 : i32 to index
        %get3A_387 = tpu.vector_load %arg7[%get3A_386] {strides = array<i32>} : memref<12544xf32, #tpu.memory_space<vmem>>, vector<16xf32>,
        %add3A_388 = arith.constant 1.000000e+00 : f32
        %add3A_389 = vector.broadcast %add3A_388 : f32 to vector<16xf32>
        %add3A_390 = arith.addf %get3A_381, %add3A_389 : vector<16xf32>
        %mul3A_391 = arith.constant 5.000000e-01 : f32
        %mul3A_392 = vector.broadcast %mul3A_391 : f32 to vector<16xf32>
        %mul3A_393 = arith.mulf %mul3A_392, %add3A_390 : vector<16xf32>
        %mul3A_394 = arith.constant 2.240000e+02 : f32
        %mul3A_395 = vector.broadcast %mul3A_394 : f32 to vector<16xf32>
        %mul3A_396 = arith.mulf %mul3A_393, %mul3A_395 : vector<16xf32>
        %add3A_397 = arith.constant 1.000000e+00 : f32
        %add3A_398 = vector.broadcast %add3A_397 : f32 to vector<16xf32>
        %add3A_399 = arith.addf %get3A_387, %add3A_398 : vector<16xf32>
        %mul3A_400 = arith.constant 5.000000e-01 : f32
        %mul3A_401 = vector.broadcast %mul3A_400 : f32 to vector<16xf32>
        %mul3A_402 = arith.mulf %mul3A_401, %add3A_399 : vector<16xf32>
        %mul3A_403 = arith.constant 2.240000e+02 : f32
        %mul3A_404 = vector.broadcast %mul3A_403 : f32 to vector<16xf32>
        %mul3A_405 = arith.mulf %mul3A_402, %mul3A_404 : vector<16xf32>
        %convert_element_type3A_406 = arith.fptosi %mul3A_396 : vector<16xf32> to vector<16xi32>
        %convert_element_type3A_407 = arith.fptosi %mul3A_405 : vector<16xf32> to vector<16xi32>
        %jit3A_408 = arith.constant 0 : i32
        %jit3A_409 = arith.constant 223 : i32
        %max3A_410 = vector.broadcast %jit3A_408 : i32 to vector<16xi32>
        %max3A_411 = arith.maxsi %max3A_410, %convert_element_type3A_406 : vector<16xi32>
        %min3A_412 = vector.broadcast %jit3A_409 : i32 to vector<16xi32>
        %min3A_413 = arith.minsi %min3A_412, %max3A_411 : vector<16xi32>
        %add3A_414 = arith.constant 1 : i32
        %add3A_415 = vector.broadcast %add3A_414 : i32 to vector<16xi32>
        %add3A_416 = arith.addi %convert_element_type3A_406, %add3A_415 : vector<16xi32>
        %jit3A_417 = arith.constant 0 : i32
        %jit3A_418 = arith.constant 223 : i32
        %max3A_419 = vector.broadcast %jit3A_417 : i32 to vector<16xi32>
        %max3A_420 = arith.maxsi %max3A_419, %add3A_416 : vector<16xi32>
        %min3A_421 = vector.broadcast %jit3A_418 : i32 to vector<16xi32>
        %min3A_422 = arith.minsi %min3A_421, %max3A_420 : vector<16xi32>
        %jit3A_423 = arith.constant 0 : i32
        %jit3A_424 = arith.constant 223 : i32
        %max3A_425 = vector.broadcast %jit3A_423 : i32 to vector<16xi32>
        %max3A_426 = arith.maxsi %max3A_425, %convert_element_type3A_407 : vector<16xi32>
        %min3A_427 = vector.broadcast %jit3A_424 : i32 to vector<16xi32>
        %min3A_428 = arith.minsi %min3A_427, %max3A_426 : vector<16xi32>
        %add3A_429 = arith.constant 1 : i32
        %add3A_430 = vector.broadcast %add3A_429 : i32 to vector<16xi32>
        %add3A_431 = arith.addi %convert_element_type3A_407, %add3A_430 : vector<16xi32>
        %jit3A_432 = arith.constant 0 : i32
        %jit3A_433 = arith.constant 223 : i32
        %max3A_434 = vector.broadcast %jit3A_432 : i32 to vector<16xi32>
        %max3A_435 = arith.maxsi %max3A_434, %add3A_431 : vector<16xi32>
        %min3A_436 = vector.broadcast %jit3A_433 : i32 to vector<16xi32>
        %min3A_437 = arith.minsi %min3A_436, %max3A_435 : vector<16xi32>
        %convert_element_type3A_438 = arith.sitofp %min3A_413 : vector<16xi32> to vector<16xf32>
        %convert_element_type3A_439 = arith.sitofp %min3A_422 : vector<16xi32> to vector<16xf32>
        %convert_element_type3A_440 = arith.sitofp %min3A_428 : vector<16xi32> to vector<16xf32>
        %convert_element_type3A_441 = arith.sitofp %min3A_437 : vector<16xi32> to vector<16xf32>
        %mul3A_442 = arith.constant 224 : i32
        %mul3A_443 = vector.broadcast %mul3A_442 : i32 to vector<16xi32>
        %mul3A_444 = arith.muli %min3A_428, %mul3A_443 : vector<16xi32>
        %add3A_445 = vector.broadcast %mul3A_20 : i32 to vector<16xi32>
        %add3A_446 = arith.addi %add3A_445, %mul3A_444 : vector<16xi32>
        %add3A_447 = arith.addi %add3A_446, %min3A_413 : vector<16xi32>
        %mul3A_448 = arith.constant 224 : i32
        %mul3A_449 = vector.broadcast %mul3A_448 : i32 to vector<16xi32>
        %mul3A_450 = arith.muli %min3A_437, %mul3A_449 : vector<16xi32>
        %add3A_451 = vector.broadcast %mul3A_20 : i32 to vector<16xi32>
        %add3A_452 = arith.addi %add3A_451, %mul3A_450 : vector<16xi32>
        %add3A_453 = arith.addi %add3A_452, %min3A_413 : vector<16xi32>
        %sub3A_454 = arith.subi %min3A_422, %min3A_413 : vector<16xi32>
        %swap3A_455 = arith.constant 0 : i32
        %swap3A_456 = arith.index_cast %swap3A_455 : i32 to index
        %swap3A_457 = arith.constant 0 : index
        %swap3A_458 = tpu.vector_load %arg8[%swap3A_456, %swap3A_457] {strides = array<i32>} : memref<2x128xi32, #tpu.memory_space<vmem>>, vector<16xi32>,
        tpu.vector_store %arg8[%swap3A_456, %swap3A_457], %add3A_447 {strides = array<i32>} : memref<2x128xi32, #tpu.memory_space<vmem>>, vector<16xi32>,
        %swap3A_459 = arith.constant 0 : i32
        %swap3A_460 = arith.index_cast %swap3A_459 : i32 to index
        %swap3A_461 = arith.constant 16 : index
        %swap3A_462 = tpu.vector_load %arg8[%swap3A_460, %swap3A_461] {strides = array<i32>} : memref<2x128xi32, #tpu.memory_space<vmem>>, vector<16xi32>,
        tpu.vector_store %arg8[%swap3A_460, %swap3A_461], %add3A_453 {strides = array<i32>} : memref<2x128xi32, #tpu.memory_space<vmem>>, vector<16xi32>,
        %add3A_463 = arith.addi %add3A_447, %sub3A_454 : vector<16xi32>
        %swap3A_464 = arith.constant 0 : i32
        %swap3A_465 = arith.index_cast %swap3A_464 : i32 to index
        %swap3A_466 = arith.constant 32 : index
        %swap3A_467 = tpu.vector_load %arg8[%swap3A_465, %swap3A_466] {strides = array<i32>} : memref<2x128xi32, #tpu.memory_space<vmem>>, vector<16xi32>,
        tpu.vector_store %arg8[%swap3A_465, %swap3A_466], %add3A_463 {strides = array<i32>} : memref<2x128xi32, #tpu.memory_space<vmem>>, vector<16xi32>,
        %add3A_468 = arith.addi %add3A_453, %sub3A_454 : vector<16xi32>
        %swap3A_469 = arith.constant 0 : i32
        %swap3A_470 = arith.index_cast %swap3A_469 : i32 to index
        %swap3A_471 = arith.constant 48 : index
        %swap3A_472 = tpu.vector_load %arg8[%swap3A_470, %swap3A_471] {strides = array<i32>} : memref<2x128xi32, #tpu.memory_space<vmem>>, vector<16xi32>,
        tpu.vector_store %arg8[%swap3A_470, %swap3A_471], %add3A_468 {strides = array<i32>} : memref<2x128xi32, #tpu.memory_space<vmem>>, vector<16xi32>,
        %sub3A_473 = arith.subf %convert_element_type3A_439, %mul3A_396 : vector<16xf32>
        %sub3A_474 = arith.subf %convert_element_type3A_441, %mul3A_405 : vector<16xf32>
        %mul3A_475 = arith.mulf %sub3A_473, %sub3A_474 : vector<16xf32>
        %swap3A_476 = arith.constant 0 : i32
        %swap3A_477 = arith.index_cast %swap3A_476 : i32 to index
        %swap3A_478 = arith.constant 0 : index
        %swap3A_479 = tpu.vector_load %arg9[%swap3A_477, %swap3A_478] {strides = array<i32>} : memref<2x128xf32, #tpu.memory_space<vmem>>, vector<16xf32>,
        tpu.vector_store %arg9[%swap3A_477, %swap3A_478], %mul3A_475 {strides = array<i32>} : memref<2x128xf32, #tpu.memory_space<vmem>>, vector<16xf32>,
        %sub3A_480 = arith.subf %convert_element_type3A_439, %mul3A_396 : vector<16xf32>
        %sub3A_481 = arith.subf %mul3A_405, %convert_element_type3A_440 : vector<16xf32>
        %mul3A_482 = arith.mulf %sub3A_480, %sub3A_481 : vector<16xf32>
        %swap3A_483 = arith.constant 0 : i32
        %swap3A_484 = arith.index_cast %swap3A_483 : i32 to index
        %swap3A_485 = arith.constant 16 : index
        %swap3A_486 = tpu.vector_load %arg9[%swap3A_484, %swap3A_485] {strides = array<i32>} : memref<2x128xf32, #tpu.memory_space<vmem>>, vector<16xf32>,
        tpu.vector_store %arg9[%swap3A_484, %swap3A_485], %mul3A_482 {strides = array<i32>} : memref<2x128xf32, #tpu.memory_space<vmem>>, vector<16xf32>,
        %sub3A_487 = arith.subf %mul3A_396, %convert_element_type3A_438 : vector<16xf32>
        %sub3A_488 = arith.subf %convert_element_type3A_441, %mul3A_405 : vector<16xf32>
        %mul3A_489 = arith.mulf %sub3A_487, %sub3A_488 : vector<16xf32>
        %swap3A_490 = arith.constant 0 : i32
        %swap3A_491 = arith.index_cast %swap3A_490 : i32 to index
        %swap3A_492 = arith.constant 32 : index
        %swap3A_493 = tpu.vector_load %arg9[%swap3A_491, %swap3A_492] {strides = array<i32>} : memref<2x128xf32, #tpu.memory_space<vmem>>, vector<16xf32>,
        tpu.vector_store %arg9[%swap3A_491, %swap3A_492], %mul3A_489 {strides = array<i32>} : memref<2x128xf32, #tpu.memory_space<vmem>>, vector<16xf32>,
        %sub3A_494 = arith.subf %mul3A_396, %convert_element_type3A_438 : vector<16xf32>
        %sub3A_495 = arith.subf %mul3A_405, %convert_element_type3A_440 : vector<16xf32>
        %mul3A_496 = arith.mulf %sub3A_494, %sub3A_495 : vector<16xf32>
        %swap3A_497 = arith.constant 0 : i32
        %swap3A_498 = arith.index_cast %swap3A_497 : i32 to index
        %swap3A_499 = arith.constant 48 : index
        %swap3A_500 = tpu.vector_load %arg9[%swap3A_498, %swap3A_499] {strides = array<i32>} : memref<2x128xf32, #tpu.memory_space<vmem>>, vector<16xf32>,
        tpu.vector_store %arg9[%swap3A_498, %swap3A_499], %mul3A_496 {strides = array<i32>} : memref<2x128xf32, #tpu.memory_space<vmem>>, vector<16xf32>,
        %mul3A_501 = arith.constant 32 : i32
        %mul3A_502 = arith.muli %add3A_375, %mul3A_501 : i32
        %add3A_503 = arith.constant 16 : i32
        %add3A_504 = arith.addi %mul3A_502, %add3A_503 : i32
        %get3A_505 = arith.index_cast %add3A_504 : i32 to index
        %get3A_506 = tpu.vector_load %arg6[%get3A_505] {strides = array<i32>} : memref<12544xf32, #tpu.memory_space<vmem>>, vector<16xf32>,
        %mul3A_507 = arith.constant 32 : i32
        %mul3A_508 = arith.muli %add3A_375, %mul3A_507 : i32
        %add3A_509 = arith.constant 16 : i32
        %add3A_510 = arith.addi %mul3A_508, %add3A_509 : i32
        %get3A_511 = arith.index_cast %add3A_510 : i32 to index
        %get3A_512 = tpu.vector_load %arg7[%get3A_511] {strides = array<i32>} : memref<12544xf32, #tpu.memory_space<vmem>>, vector<16xf32>,
        %add3A_513 = arith.constant 1.000000e+00 : f32
        %add3A_514 = vector.broadcast %add3A_513 : f32 to vector<16xf32>
        %add3A_515 = arith.addf %get3A_506, %add3A_514 : vector<16xf32>
        %mul3A_516 = arith.constant 5.000000e-01 : f32
        %mul3A_517 = vector.broadcast %mul3A_516 : f32 to vector<16xf32>
        %mul3A_518 = arith.mulf %mul3A_517, %add3A_515 : vector<16xf32>
        %mul3A_519 = arith.constant 2.240000e+02 : f32
        %mul3A_520 = vector.broadcast %mul3A_519 : f32 to vector<16xf32>
        %mul3A_521 = arith.mulf %mul3A_518, %mul3A_520 : vector<16xf32>
        %add3A_522 = arith.constant 1.000000e+00 : f32
        %add3A_523 = vector.broadcast %add3A_522 : f32 to vector<16xf32>
        %add3A_524 = arith.addf %get3A_512, %add3A_523 : vector<16xf32>
        %mul3A_525 = arith.constant 5.000000e-01 : f32
        %mul3A_526 = vector.broadcast %mul3A_525 : f32 to vector<16xf32>
        %mul3A_527 = arith.mulf %mul3A_526, %add3A_524 : vector<16xf32>
        %mul3A_528 = arith.constant 2.240000e+02 : f32
        %mul3A_529 = vector.broadcast %mul3A_528 : f32 to vector<16xf32>
        %mul3A_530 = arith.mulf %mul3A_527, %mul3A_529 : vector<16xf32>
        %convert_element_type3A_531 = arith.fptosi %mul3A_521 : vector<16xf32> to vector<16xi32>
        %convert_element_type3A_532 = arith.fptosi %mul3A_530 : vector<16xf32> to vector<16xi32>
        %jit3A_533 = arith.constant 0 : i32
        %jit3A_534 = arith.constant 223 : i32
        %max3A_535 = vector.broadcast %jit3A_533 : i32 to vector<16xi32>
        %max3A_536 = arith.maxsi %max3A_535, %convert_element_type3A_531 : vector<16xi32>
        %min3A_537 = vector.broadcast %jit3A_534 : i32 to vector<16xi32>
        %min3A_538 = arith.minsi %min3A_537, %max3A_536 : vector<16xi32>
        %add3A_539 = arith.constant 1 : i32
        %add3A_540 = vector.broadcast %add3A_539 : i32 to vector<16xi32>
        %add3A_541 = arith.addi %convert_element_type3A_531, %add3A_540 : vector<16xi32>
        %jit3A_542 = arith.constant 0 : i32
        %jit3A_543 = arith.constant 223 : i32
        %max3A_544 = vector.broadcast %jit3A_542 : i32 to vector<16xi32>
        %max3A_545 = arith.maxsi %max3A_544, %add3A_541 : vector<16xi32>
        %min3A_546 = vector.broadcast %jit3A_543 : i32 to vector<16xi32>
        %min3A_547 = arith.minsi %min3A_546, %max3A_545 : vector<16xi32>
        %jit3A_548 = arith.constant 0 : i32
        %jit3A_549 = arith.constant 223 : i32
        %max3A_550 = vector.broadcast %jit3A_548 : i32 to vector<16xi32>
        %max3A_551 = arith.maxsi %max3A_550, %convert_element_type3A_532 : vector<16xi32>
        %min3A_552 = vector.broadcast %jit3A_549 : i32 to vector<16xi32>
        %min3A_553 = arith.minsi %min3A_552, %max3A_551 : vector<16xi32>
        %add3A_554 = arith.constant 1 : i32
        %add3A_555 = vector.broadcast %add3A_554 : i32 to vector<16xi32>
        %add3A_556 = arith.addi %convert_element_type3A_532, %add3A_555 : vector<16xi32>
        %jit3A_557 = arith.constant 0 : i32
        %jit3A_558 = arith.constant 223 : i32
        %max3A_559 = vector.broadcast %jit3A_557 : i32 to vector<16xi32>
        %max3A_560 = arith.maxsi %max3A_559, %add3A_556 : vector<16xi32>
        %min3A_561 = vector.broadcast %jit3A_558 : i32 to vector<16xi32>
        %min3A_562 = arith.minsi %min3A_561, %max3A_560 : vector<16xi32>
        %convert_element_type3A_563 = arith.sitofp %min3A_538 : vector<16xi32> to vector<16xf32>
        %convert_element_type3A_564 = arith.sitofp %min3A_547 : vector<16xi32> to vector<16xf32>
        %convert_element_type3A_565 = arith.sitofp %min3A_553 : vector<16xi32> to vector<16xf32>
        %convert_element_type3A_566 = arith.sitofp %min3A_562 : vector<16xi32> to vector<16xf32>
        %mul3A_567 = arith.constant 224 : i32
        %mul3A_568 = vector.broadcast %mul3A_567 : i32 to vector<16xi32>
        %mul3A_569 = arith.muli %min3A_553, %mul3A_568 : vector<16xi32>
        %add3A_570 = vector.broadcast %mul3A_20 : i32 to vector<16xi32>
        %add3A_571 = arith.addi %add3A_570, %mul3A_569 : vector<16xi32>
        %add3A_572 = arith.addi %add3A_571, %min3A_538 : vector<16xi32>
        %mul3A_573 = arith.constant 224 : i32
        %mul3A_574 = vector.broadcast %mul3A_573 : i32 to vector<16xi32>
        %mul3A_575 = arith.muli %min3A_562, %mul3A_574 : vector<16xi32>
        %add3A_576 = vector.broadcast %mul3A_20 : i32 to vector<16xi32>
        %add3A_577 = arith.addi %add3A_576, %mul3A_575 : vector<16xi32>
        %add3A_578 = arith.addi %add3A_577, %min3A_538 : vector<16xi32>
        %sub3A_579 = arith.subi %min3A_547, %min3A_538 : vector<16xi32>
        %swap3A_580 = arith.constant 0 : i32
        %swap3A_581 = arith.index_cast %swap3A_580 : i32 to index
        %swap3A_582 = arith.constant 64 : index
        %swap3A_583 = tpu.vector_load %arg8[%swap3A_581, %swap3A_582] {strides = array<i32>} : memref<2x128xi32, #tpu.memory_space<vmem>>, vector<16xi32>,
        tpu.vector_store %arg8[%swap3A_581, %swap3A_582], %add3A_572 {strides = array<i32>} : memref<2x128xi32, #tpu.memory_space<vmem>>, vector<16xi32>,
        %swap3A_584 = arith.constant 0 : i32
        %swap3A_585 = arith.index_cast %swap3A_584 : i32 to index
        %swap3A_586 = arith.constant 80 : index
        %swap3A_587 = tpu.vector_load %arg8[%swap3A_585, %swap3A_586] {strides = array<i32>} : memref<2x128xi32, #tpu.memory_space<vmem>>, vector<16xi32>,
        tpu.vector_store %arg8[%swap3A_585, %swap3A_586], %add3A_578 {strides = array<i32>} : memref<2x128xi32, #tpu.memory_space<vmem>>, vector<16xi32>,
        %add3A_588 = arith.addi %add3A_572, %sub3A_579 : vector<16xi32>
        %swap3A_589 = arith.constant 0 : i32
        %swap3A_590 = arith.index_cast %swap3A_589 : i32 to index
        %swap3A_591 = arith.constant 96 : index
        %swap3A_592 = tpu.vector_load %arg8[%swap3A_590, %swap3A_591] {strides = array<i32>} : memref<2x128xi32, #tpu.memory_space<vmem>>, vector<16xi32>,
        tpu.vector_store %arg8[%swap3A_590, %swap3A_591], %add3A_588 {strides = array<i32>} : memref<2x128xi32, #tpu.memory_space<vmem>>, vector<16xi32>,
        %add3A_593 = arith.addi %add3A_578, %sub3A_579 : vector<16xi32>
        %swap3A_594 = arith.constant 0 : i32
        %swap3A_595 = arith.index_cast %swap3A_594 : i32 to index
        %swap3A_596 = arith.constant 112 : index
        %swap3A_597 = tpu.vector_load %arg8[%swap3A_595, %swap3A_596] {strides = array<i32>} : memref<2x128xi32, #tpu.memory_space<vmem>>, vector<16xi32>,
        tpu.vector_store %arg8[%swap3A_595, %swap3A_596], %add3A_593 {strides = array<i32>} : memref<2x128xi32, #tpu.memory_space<vmem>>, vector<16xi32>,
        %sub3A_598 = arith.subf %convert_element_type3A_564, %mul3A_521 : vector<16xf32>
        %sub3A_599 = arith.subf %convert_element_type3A_566, %mul3A_530 : vector<16xf32>
        %mul3A_600 = arith.mulf %sub3A_598, %sub3A_599 : vector<16xf32>
        %swap3A_601 = arith.constant 0 : i32
        %swap3A_602 = arith.index_cast %swap3A_601 : i32 to index
        %swap3A_603 = arith.constant 64 : index
        %swap3A_604 = tpu.vector_load %arg9[%swap3A_602, %swap3A_603] {strides = array<i32>} : memref<2x128xf32, #tpu.memory_space<vmem>>, vector<16xf32>,
        tpu.vector_store %arg9[%swap3A_602, %swap3A_603], %mul3A_600 {strides = array<i32>} : memref<2x128xf32, #tpu.memory_space<vmem>>, vector<16xf32>,
        %sub3A_605 = arith.subf %convert_element_type3A_564, %mul3A_521 : vector<16xf32>
        %sub3A_606 = arith.subf %mul3A_530, %convert_element_type3A_565 : vector<16xf32>
        %mul3A_607 = arith.mulf %sub3A_605, %sub3A_606 : vector<16xf32>
        %swap3A_608 = arith.constant 0 : i32
        %swap3A_609 = arith.index_cast %swap3A_608 : i32 to index
        %swap3A_610 = arith.constant 80 : index
        %swap3A_611 = tpu.vector_load %arg9[%swap3A_609, %swap3A_610] {strides = array<i32>} : memref<2x128xf32, #tpu.memory_space<vmem>>, vector<16xf32>,
        tpu.vector_store %arg9[%swap3A_609, %swap3A_610], %mul3A_607 {strides = array<i32>} : memref<2x128xf32, #tpu.memory_space<vmem>>, vector<16xf32>,
        %sub3A_612 = arith.subf %mul3A_521, %convert_element_type3A_563 : vector<16xf32>
        %sub3A_613 = arith.subf %convert_element_type3A_566, %mul3A_530 : vector<16xf32>
        %mul3A_614 = arith.mulf %sub3A_612, %sub3A_613 : vector<16xf32>
        %swap3A_615 = arith.constant 0 : i32
        %swap3A_616 = arith.index_cast %swap3A_615 : i32 to index
        %swap3A_617 = arith.constant 96 : index
        %swap3A_618 = tpu.vector_load %arg9[%swap3A_616, %swap3A_617] {strides = array<i32>} : memref<2x128xf32, #tpu.memory_space<vmem>>, vector<16xf32>,
        tpu.vector_store %arg9[%swap3A_616, %swap3A_617], %mul3A_614 {strides = array<i32>} : memref<2x128xf32, #tpu.memory_space<vmem>>, vector<16xf32>,
        %sub3A_619 = arith.subf %mul3A_521, %convert_element_type3A_563 : vector<16xf32>
        %sub3A_620 = arith.subf %mul3A_530, %convert_element_type3A_565 : vector<16xf32>
        %mul3A_621 = arith.mulf %sub3A_619, %sub3A_620 : vector<16xf32>
        %swap3A_622 = arith.constant 0 : i32
        %swap3A_623 = arith.index_cast %swap3A_622 : i32 to index
        %swap3A_624 = arith.constant 112 : index
        %swap3A_625 = tpu.vector_load %arg9[%swap3A_623, %swap3A_624] {strides = array<i32>} : memref<2x128xf32, #tpu.memory_space<vmem>>, vector<16xf32>,
        tpu.vector_store %arg9[%swap3A_623, %swap3A_624], %mul3A_621 {strides = array<i32>} : memref<2x128xf32, #tpu.memory_space<vmem>>, vector<16xf32>,
        %dma_start3A_626 = arith.constant 0 : i32
        %dma_start3A_627 = arith.constant 0 : i32
        %dma_start3A_628 = arith.constant 0 : i32
        %dma_start3A_629 = tpu.memref_slice %arg10[%dma_start3A_627, %dma_start3A_628] : memref<256x96xf32, #tpu.memory_space<vmem>> -> memref<128x96xf32, #tpu.memory_space<vmem>>
        %dma_start3A_630 = arith.constant 0 : i32
        %dma_start3A_631 = tpu.memref_slice %arg8[%dma_start3A_626, %dma_start3A_630] : memref<2x128xi32, #tpu.memory_space<vmem>> -> memref<1x128xi32, #tpu.memory_space<vmem>>
        %dma_start3A_632 = tpu.memref_squeeze %dma_start3A_631 : memref<1x128xi32, #tpu.memory_space<vmem>> -> memref<128xi32, #tpu.memory_space<vmem>>
        %dma_start3A_633 = arith.constant 0 : i32
        %dma_start3A_634 = arith.constant 0 : i32
        %dma_start3A_635 = tpu.memref_slice %arg2[%dma_start3A_633, %dma_start3A_634] : memref<401408x96xf32, #tpu.memory_space<hbm>> -> memref<401408x96xf32, #tpu.memory_space<hbm>>
        tpu.enqueue_indirect_dma source(%dma_start3A_635 : memref<401408x96xf32, #tpu.memory_space<hbm>>) target(%dma_start3A_629 : memref<128x96xf32, #tpu.memory_space<vmem>>) offsets(%dma_start3A_632 : memref<128xi32, #tpu.memory_space<vmem>>) semaphore(%arg12 : memref<!tpu.dma_semaphore, #tpu.memory_space<semaphore_mem>>)
      } else {
      }
      %dma_wait3A_338 = arith.constant 1 : i32
      %dma_wait3A_339 = arith.constant 128 : i32
      %dma_wait3A_340 = arith.constant 0 : i32
      %dma_wait3A_341 = tpu.memref_slice %arg10[%dma_wait3A_339, %dma_wait3A_340] : memref<256x96xf32, #tpu.memory_space<vmem>> -> memref<128x96xf32, #tpu.memory_space<vmem>>
      %dma_wait3A_342 = arith.constant 0 : i32
      %dma_wait3A_343 = tpu.memref_slice %arg8[%dma_wait3A_338, %dma_wait3A_342] : memref<2x128xi32, #tpu.memory_space<vmem>> -> memref<1x128xi32, #tpu.memory_space<vmem>>
      %dma_wait3A_344 = tpu.memref_squeeze %dma_wait3A_343 : memref<1x128xi32, #tpu.memory_space<vmem>> -> memref<128xi32, #tpu.memory_space<vmem>>
      %dma_wait3A_345 = arith.constant 0 : i32
      %dma_wait3A_346 = arith.constant 0 : i32
      %dma_wait3A_347 = tpu.memref_slice %arg2[%dma_wait3A_345, %dma_wait3A_346] : memref<401408x96xf32, #tpu.memory_space<hbm>> -> memref<401408x96xf32, #tpu.memory_space<hbm>>
      tpu.wait_indirect_dma semaphore(%arg13 : memref<!tpu.dma_semaphore, #tpu.memory_space<semaphore_mem>>) src(%dma_wait3A_347 : memref<401408x96xf32, #tpu.memory_space<hbm>>) dst(%dma_wait3A_341 : memref<128x96xf32, #tpu.memory_space<vmem>>)
      %ge3A_348 = arith.constant 2 : i32
      %ge3A_349 = arith.cmpi sge, %add3A_330, %ge3A_348 : i32
      %convert_element_type3A_350 = arith.extui %ge3A_349 : i1 to i32
      %cond3A_351 = arith.constant 0 : i32
      %cond3A_352 = arith.cmpi ne, %convert_element_type3A_350, %cond3A_351 : i32
      scf.if %cond3A_352 {
        %dma_wait3A_374 = arith.constant 32 : i32
        %dma_wait3A_375 = arith.constant 0 : i32
        %dma_wait3A_376 = tpu.memref_slice %arg11[%dma_wait3A_374, %dma_wait3A_375] : memref<64x96xf32, #tpu.memory_space<vmem>> -> memref<32x96xf32, #tpu.memory_space<vmem>>
        %dma_wait3A_377 = arith.constant 0 : i32
        %dma_wait3A_378 = tpu.memref_slice %arg5[%mul3A_2, %dma_wait3A_377] : memref<401408x96xf32, #tpu.memory_space<hbm>> -> memref<32x96xf32, #tpu.memory_space<hbm>>
        %dma_wait3A_379 = arith.constant 0 : i32
        %dma_wait3A_380 = tpu.memref_slice %arg5[%mul3A_2, %dma_wait3A_379] : memref<401408x96xf32, #tpu.memory_space<hbm>> -> memref<32x96xf32, #tpu.memory_space<hbm>>
        %dma_wait3A_381 = arith.constant 32 : i32
        %dma_wait3A_382 = arith.constant 0 : i32
        %dma_wait3A_383 = tpu.memref_slice %arg11[%dma_wait3A_381, %dma_wait3A_382] : memref<64x96xf32, #tpu.memory_space<vmem>> -> memref<32x96xf32, #tpu.memory_space<vmem>>
        tpu.wait_dma2 semaphore(%arg15 : memref<!tpu.dma_semaphore, #tpu.memory_space<semaphore_mem>>) src(%dma_wait3A_383 : memref<32x96xf32, #tpu.memory_space<vmem>>) dst(%dma_wait3A_380 : memref<32x96xf32, #tpu.memory_space<hbm>>)
      } else {
      }
      %broadcast_in_dim3A_353 = arith.constant 1 : i32
      %broadcast_in_dim3A_354 = vector.broadcast %broadcast_in_dim3A_353 : i32 to vector<16xi32>
      %scan3A_355 = arith.constant 0 : i32
      %scan3A_356 = arith.constant 0 : i32
      %scan3A_357 = arith.constant 32 : i32
      %scan3A_358 = arith.addi %scan3A_356, %scan3A_357 : i32
      %scan3A_359 = arith.constant 1 : i32
      scf.for %scan3A_374 = %scan3A_356 to %scan3A_358 step %scan3A_359  : i32 {
        %jit3A_375 = arith.constant 16 : i32
        %div3A_376 = arith.divsi %scan3A_374, %jit3A_375 : i32
        %sign3A_377 = arith.constant 0 : i32
        %sign3A_378 = arith.cmpi sgt, %scan3A_374, %sign3A_377 : i32
        %sign3A_379 = arith.extui %sign3A_378 : i1 to i32
        %sign3A_380 = arith.constant 0 : i32
        %sign3A_381 = arith.cmpi slt, %scan3A_374, %sign3A_380 : i32
        %sign3A_382 = arith.extui %sign3A_381 : i1 to i32
        %sign3A_383 = arith.subi %sign3A_379, %sign3A_382 : i32
        %sign3A_384 = arith.constant 0 : i32
        %sign3A_385 = arith.cmpi sgt, %jit3A_375, %sign3A_384 : i32
        %sign3A_386 = arith.extui %sign3A_385 : i1 to i32
        %sign3A_387 = arith.constant 0 : i32
        %sign3A_388 = arith.cmpi slt, %jit3A_375, %sign3A_387 : i32
        %sign3A_389 = arith.extui %sign3A_388 : i1 to i32
        %sign3A_390 = arith.subi %sign3A_386, %sign3A_389 : i32
        %ne3A_391 = arith.cmpi ne, %sign3A_383, %sign3A_390 : i32
        %rem3A_392 = arith.remsi %scan3A_374, %jit3A_375 : i32
        %ne3A_393 = arith.constant 0 : i32
        %ne3A_394 = arith.cmpi ne, %rem3A_392, %ne3A_393 : i32
        %and3A_395 = arith.andi %ne3A_391, %ne3A_394 : i1
        %sub3A_396 = arith.constant 1 : i32
        %sub3A_397 = arith.subi %div3A_376, %sub3A_396 : i32
        %select_n3A_398 = arith.select %and3A_395, %sub3A_397, %div3A_376 : i32
        %mul3A_399 = arith.constant 64 : i32
        %mul3A_400 = arith.muli %select_n3A_398, %mul3A_399 : i32
        %jit3A_401 = arith.constant 16 : i32
        %eq3A = arith.constant 0 : i32
        %eq3A_402 = arith.cmpi eq, %jit3A_401, %eq3A : i32
        %jit3A_403 = arith.constant 1 : i32
        %select_n3A_404 = arith.select %eq3A_402, %jit3A_403, %jit3A_401 : i32
        %rem3A_405 = arith.remsi %scan3A_374, %select_n3A_404 : i32
        %ne3A_406 = arith.constant 0 : i32
        %ne3A_407 = arith.cmpi ne, %rem3A_405, %ne3A_406 : i32
        %lt3A_408 = arith.constant 0 : i32
        %lt3A_409 = arith.cmpi slt, %rem3A_405, %lt3A_408 : i32
        %lt3A_410 = arith.constant 0 : i32
        %lt3A_411 = arith.cmpi slt, %select_n3A_404, %lt3A_410 : i32
        %ne3A_412 = arith.xori %lt3A_409, %lt3A_411 : i1
        %and3A_413 = arith.andi %ne3A_412, %ne3A_407 : i1
        %add3A_414 = arith.addi %rem3A_405, %select_n3A_404 : i32
        %select_n3A_415 = arith.select %and3A_413, %add3A_414, %rem3A_405 : i32
        %add3A_416 = arith.addi %mul3A_400, %select_n3A_415 : i32
        %broadcast_in_dim3A_417 = vector.broadcast %add3A_416 : i32 to vector<16xi32>
        %gather3A = tpu.vector_load_idx %arg9[%broadcast_in_dim3A_354, %broadcast_in_dim3A_417] : memref<2x128xf32, #tpu.memory_space<vmem>>[vector<16xi32>, vector<16xi32>], vector<16xf32>,
        %add3A_418 = arith.constant 16 : i32
        %add3A_419 = vector.broadcast %add3A_418 : i32 to vector<16xi32>
        %add3A_420 = arith.addi %broadcast_in_dim3A_417, %add3A_419 : vector<16xi32>
        %gather3A_421 = tpu.vector_load_idx %arg9[%broadcast_in_dim3A_354, %add3A_420] : memref<2x128xf32, #tpu.memory_space<vmem>>[vector<16xi32>, vector<16xi32>], vector<16xf32>,
        %add3A_422 = arith.constant 32 : i32
        %add3A_423 = vector.broadcast %add3A_422 : i32 to vector<16xi32>
        %add3A_424 = arith.addi %broadcast_in_dim3A_417, %add3A_423 : vector<16xi32>
        %gather3A_425 = tpu.vector_load_idx %arg9[%broadcast_in_dim3A_354, %add3A_424] : memref<2x128xf32, #tpu.memory_space<vmem>>[vector<16xi32>, vector<16xi32>], vector<16xf32>,
        %add3A_426 = arith.constant 48 : i32
        %add3A_427 = vector.broadcast %add3A_426 : i32 to vector<16xi32>
        %add3A_428 = arith.addi %broadcast_in_dim3A_417, %add3A_427 : vector<16xi32>
        %gather3A_429 = tpu.vector_load_idx %arg9[%broadcast_in_dim3A_354, %add3A_428] : memref<2x128xf32, #tpu.memory_space<vmem>>[vector<16xi32>, vector<16xi32>], vector<16xf32>,
        %add3A_430 = arith.constant 128 : i32
        %add3A_431 = arith.addi %add3A_430, %add3A_416 : i32
        %get3A_432 = arith.index_cast %add3A_431 : i32 to index
        %get3A_433 = arith.constant 0 : index
        %get3A_434 = tpu.vector_load %arg10[%get3A_432, %get3A_433] {strides = array<i32>} : memref<256x96xf32, #tpu.memory_space<vmem>>, vector<16xf32>,
        %add3A_435 = arith.constant 16 : i32
        %add3A_436 = arith.addi %add3A_431, %add3A_435 : i32
        %get3A_437 = arith.index_cast %add3A_436 : i32 to index
        %get3A_438 = arith.constant 0 : index
        %get3A_439 = tpu.vector_load %arg10[%get3A_437, %get3A_438] {strides = array<i32>} : memref<256x96xf32, #tpu.memory_space<vmem>>, vector<16xf32>,
        %add3A_440 = arith.constant 32 : i32
        %add3A_441 = arith.addi %add3A_431, %add3A_440 : i32
        %get3A_442 = arith.index_cast %add3A_441 : i32 to index
        %get3A_443 = arith.constant 0 : index
        %get3A_444 = tpu.vector_load %arg10[%get3A_442, %get3A_443] {strides = array<i32>} : memref<256x96xf32, #tpu.memory_space<vmem>>, vector<16xf32>,
        %add3A_445 = arith.constant 48 : i32
        %add3A_446 = arith.addi %add3A_431, %add3A_445 : i32
        %get3A_447 = arith.index_cast %add3A_446 : i32 to index
        %get3A_448 = arith.constant 0 : index
        %get3A_449 = tpu.vector_load %arg10[%get3A_447, %get3A_448] {strides = array<i32>} : memref<256x96xf32, #tpu.memory_space<vmem>>, vector<16xf32>,
        %mul3A_450 = arith.mulf %gather3A, %get3A_434 : vector<16xf32>
        %mul3A_451 = arith.mulf %gather3A_421, %get3A_439 : vector<16xf32>
        %add3A_452 = arith.addf %mul3A_450, %mul3A_451 : vector<16xf32>
        %mul3A_453 = arith.mulf %gather3A_425, %get3A_444 : vector<16xf32>
        %add3A_454 = arith.addf %add3A_452, %mul3A_453 : vector<16xf32>
        %mul3A_455 = arith.mulf %gather3A_429, %get3A_449 : vector<16xf32>
        %add3A_456 = arith.addf %add3A_454, %mul3A_455 : vector<16xf32>
        %add3A_457 = arith.constant 32 : i32
        %add3A_458 = arith.addi %add3A_457, %scan3A_374 : i32
        %swap3A_459 = arith.index_cast %add3A_458 : i32 to index
        %swap3A_460 = arith.constant 0 : index
        %swap3A_461 = tpu.vector_load %arg11[%swap3A_459, %swap3A_460] {strides = array<i32>} : memref<64x96xf32, #tpu.memory_space<vmem>>, vector<16xf32>,
        tpu.vector_store %arg11[%swap3A_459, %swap3A_460], %add3A_456 {strides = array<i32>} : memref<64x96xf32, #tpu.memory_space<vmem>>, vector<16xf32>,
        %get3A_462 = arith.index_cast %add3A_431 : i32 to index
        %get3A_463 = arith.constant 16 : index
        %get3A_464 = tpu.vector_load %arg10[%get3A_462, %get3A_463] {strides = array<i32>} : memref<256x96xf32, #tpu.memory_space<vmem>>, vector<16xf32>,
        %add3A_465 = arith.constant 16 : i32
        %add3A_466 = arith.addi %add3A_431, %add3A_465 : i32
        %get3A_467 = arith.index_cast %add3A_466 : i32 to index
        %get3A_468 = arith.constant 16 : index
        %get3A_469 = tpu.vector_load %arg10[%get3A_467, %get3A_468] {strides = array<i32>} : memref<256x96xf32, #tpu.memory_space<vmem>>, vector<16xf32>,
        %add3A_470 = arith.constant 32 : i32
        %add3A_471 = arith.addi %add3A_431, %add3A_470 : i32
        %get3A_472 = arith.index_cast %add3A_471 : i32 to index
        %get3A_473 = arith.constant 16 : index
        %get3A_474 = tpu.vector_load %arg10[%get3A_472, %get3A_473] {strides = array<i32>} : memref<256x96xf32, #tpu.memory_space<vmem>>, vector<16xf32>,
        %add3A_475 = arith.constant 48 : i32
        %add3A_476 = arith.addi %add3A_431, %add3A_475 : i32
        %get3A_477 = arith.index_cast %add3A_476 : i32 to index
        %get3A_478 = arith.constant 16 : index
        %get3A_479 = tpu.vector_load %arg10[%get3A_477, %get3A_478] {strides = array<i32>} : memref<256x96xf32, #tpu.memory_space<vmem>>, vector<16xf32>,
        %mul3A_480 = arith.mulf %gather3A, %get3A_464 : vector<16xf32>
        %mul3A_481 = arith.mulf %gather3A_421, %get3A_469 : vector<16xf32>
        %add3A_482 = arith.addf %mul3A_480, %mul3A_481 : vector<16xf32>
        %mul3A_483 = arith.mulf %gather3A_425, %get3A_474 : vector<16xf32>
        %add3A_484 = arith.addf %add3A_482, %mul3A_483 : vector<16xf32>
        %mul3A_485 = arith.mulf %gather3A_429, %get3A_479 : vector<16xf32>
        %add3A_486 = arith.addf %add3A_484, %mul3A_485 : vector<16xf32>
        %add3A_487 = arith.constant 32 : i32
        %add3A_488 = arith.addi %add3A_487, %scan3A_374 : i32
        %swap3A_489 = arith.index_cast %add3A_488 : i32 to index
        %swap3A_490 = arith.constant 16 : index
        %swap3A_491 = tpu.vector_load %arg11[%swap3A_489, %swap3A_490] {strides = array<i32>} : memref<64x96xf32, #tpu.memory_space<vmem>>, vector<16xf32>,
        tpu.vector_store %arg11[%swap3A_489, %swap3A_490], %add3A_486 {strides = array<i32>} : memref<64x96xf32, #tpu.memory_space<vmem>>, vector<16xf32>,
        %get3A_492 = arith.index_cast %add3A_431 : i32 to index
        %get3A_493 = arith.constant 32 : index
        %get3A_494 = tpu.vector_load %arg10[%get3A_492, %get3A_493] {strides = array<i32>} : memref<256x96xf32, #tpu.memory_space<vmem>>, vector<16xf32>,
        %add3A_495 = arith.constant 16 : i32
        %add3A_496 = arith.addi %add3A_431, %add3A_495 : i32
        %get3A_497 = arith.index_cast %add3A_496 : i32 to index
        %get3A_498 = arith.constant 32 : index
        %get3A_499 = tpu.vector_load %arg10[%get3A_497, %get3A_498] {strides = array<i32>} : memref<256x96xf32, #tpu.memory_space<vmem>>, vector<16xf32>,
        %add3A_500 = arith.constant 32 : i32
        %add3A_501 = arith.addi %add3A_431, %add3A_500 : i32
        %get3A_502 = arith.index_cast %add3A_501 : i32 to index
        %get3A_503 = arith.constant 32 : index
        %get3A_504 = tpu.vector_load %arg10[%get3A_502, %get3A_503] {strides = array<i32>} : memref<256x96xf32, #tpu.memory_space<vmem>>, vector<16xf32>,
        %add3A_505 = arith.constant 48 : i32
        %add3A_506 = arith.addi %add3A_431, %add3A_505 : i32
        %get3A_507 = arith.index_cast %add3A_506 : i32 to index
        %get3A_508 = arith.constant 32 : index
        %get3A_509 = tpu.vector_load %arg10[%get3A_507, %get3A_508] {strides = array<i32>} : memref<256x96xf32, #tpu.memory_space<vmem>>, vector<16xf32>,
        %mul3A_510 = arith.mulf %gather3A, %get3A_494 : vector<16xf32>
        %mul3A_511 = arith.mulf %gather3A_421, %get3A_499 : vector<16xf32>
        %add3A_512 = arith.addf %mul3A_510, %mul3A_511 : vector<16xf32>
        %mul3A_513 = arith.mulf %gather3A_425, %get3A_504 : vector<16xf32>
        %add3A_514 = arith.addf %add3A_512, %mul3A_513 : vector<16xf32>
        %mul3A_515 = arith.mulf %gather3A_429, %get3A_509 : vector<16xf32>
        %add3A_516 = arith.addf %add3A_514, %mul3A_515 : vector<16xf32>
        %add3A_517 = arith.constant 32 : i32
        %add3A_518 = arith.addi %add3A_517, %scan3A_374 : i32
        %swap3A_519 = arith.index_cast %add3A_518 : i32 to index
        %swap3A_520 = arith.constant 32 : index
        %swap3A_521 = tpu.vector_load %arg11[%swap3A_519, %swap3A_520] {strides = array<i32>} : memref<64x96xf32, #tpu.memory_space<vmem>>, vector<16xf32>,
        tpu.vector_store %arg11[%swap3A_519, %swap3A_520], %add3A_516 {strides = array<i32>} : memref<64x96xf32, #tpu.memory_space<vmem>>, vector<16xf32>,
        %get3A_522 = arith.index_cast %add3A_431 : i32 to index
        %get3A_523 = arith.constant 48 : index
        %get3A_524 = tpu.vector_load %arg10[%get3A_522, %get3A_523] {strides = array<i32>} : memref<256x96xf32, #tpu.memory_space<vmem>>, vector<16xf32>,
        %add3A_525 = arith.constant 16 : i32
        %add3A_526 = arith.addi %add3A_431, %add3A_525 : i32
        %get3A_527 = arith.index_cast %add3A_526 : i32 to index
        %get3A_528 = arith.constant 48 : index
        %get3A_529 = tpu.vector_load %arg10[%get3A_527, %get3A_528] {strides = array<i32>} : memref<256x96xf32, #tpu.memory_space<vmem>>, vector<16xf32>,
        %add3A_530 = arith.constant 32 : i32
        %add3A_531 = arith.addi %add3A_431, %add3A_530 : i32
        %get3A_532 = arith.index_cast %add3A_531 : i32 to index
        %get3A_533 = arith.constant 48 : index
        %get3A_534 = tpu.vector_load %arg10[%get3A_532, %get3A_533] {strides = array<i32>} : memref<256x96xf32, #tpu.memory_space<vmem>>, vector<16xf32>,
        %add3A_535 = arith.constant 48 : i32
        %add3A_536 = arith.addi %add3A_431, %add3A_535 : i32
        %get3A_537 = arith.index_cast %add3A_536 : i32 to index
        %get3A_538 = arith.constant 48 : index
        %get3A_539 = tpu.vector_load %arg10[%get3A_537, %get3A_538] {strides = array<i32>} : memref<256x96xf32, #tpu.memory_space<vmem>>, vector<16xf32>,
        %mul3A_540 = arith.mulf %gather3A, %get3A_524 : vector<16xf32>
        %mul3A_541 = arith.mulf %gather3A_421, %get3A_529 : vector<16xf32>
        %add3A_542 = arith.addf %mul3A_540, %mul3A_541 : vector<16xf32>
        %mul3A_543 = arith.mulf %gather3A_425, %get3A_534 : vector<16xf32>
        %add3A_544 = arith.addf %add3A_542, %mul3A_543 : vector<16xf32>
        %mul3A_545 = arith.mulf %gather3A_429, %get3A_539 : vector<16xf32>
        %add3A_546 = arith.addf %add3A_544, %mul3A_545 : vector<16xf32>
        %add3A_547 = arith.constant 32 : i32
        %add3A_548 = arith.addi %add3A_547, %scan3A_374 : i32
        %swap3A_549 = arith.index_cast %add3A_548 : i32 to index
        %swap3A_550 = arith.constant 48 : index
        %swap3A_551 = tpu.vector_load %arg11[%swap3A_549, %swap3A_550] {strides = array<i32>} : memref<64x96xf32, #tpu.memory_space<vmem>>, vector<16xf32>,
        tpu.vector_store %arg11[%swap3A_549, %swap3A_550], %add3A_546 {strides = array<i32>} : memref<64x96xf32, #tpu.memory_space<vmem>>, vector<16xf32>,
        %get3A_552 = arith.index_cast %add3A_431 : i32 to index
        %get3A_553 = arith.constant 64 : index
        %get3A_554 = tpu.vector_load %arg10[%get3A_552, %get3A_553] {strides = array<i32>} : memref<256x96xf32, #tpu.memory_space<vmem>>, vector<16xf32>,
        %add3A_555 = arith.constant 16 : i32
        %add3A_556 = arith.addi %add3A_431, %add3A_555 : i32
        %get3A_557 = arith.index_cast %add3A_556 : i32 to index
        %get3A_558 = arith.constant 64 : index
        %get3A_559 = tpu.vector_load %arg10[%get3A_557, %get3A_558] {strides = array<i32>} : memref<256x96xf32, #tpu.memory_space<vmem>>, vector<16xf32>,
        %add3A_560 = arith.constant 32 : i32
        %add3A_561 = arith.addi %add3A_431, %add3A_560 : i32
        %get3A_562 = arith.index_cast %add3A_561 : i32 to index
        %get3A_563 = arith.constant 64 : index
        %get3A_564 = tpu.vector_load %arg10[%get3A_562, %get3A_563] {strides = array<i32>} : memref<256x96xf32, #tpu.memory_space<vmem>>, vector<16xf32>,
        %add3A_565 = arith.constant 48 : i32
        %add3A_566 = arith.addi %add3A_431, %add3A_565 : i32
        %get3A_567 = arith.index_cast %add3A_566 : i32 to index
        %get3A_568 = arith.constant 64 : index
        %get3A_569 = tpu.vector_load %arg10[%get3A_567, %get3A_568] {strides = array<i32>} : memref<256x96xf32, #tpu.memory_space<vmem>>, vector<16xf32>,
        %mul3A_570 = arith.mulf %gather3A, %get3A_554 : vector<16xf32>
        %mul3A_571 = arith.mulf %gather3A_421, %get3A_559 : vector<16xf32>
        %add3A_572 = arith.addf %mul3A_570, %mul3A_571 : vector<16xf32>
        %mul3A_573 = arith.mulf %gather3A_425, %get3A_564 : vector<16xf32>
        %add3A_574 = arith.addf %add3A_572, %mul3A_573 : vector<16xf32>
        %mul3A_575 = arith.mulf %gather3A_429, %get3A_569 : vector<16xf32>
        %add3A_576 = arith.addf %add3A_574, %mul3A_575 : vector<16xf32>
        %add3A_577 = arith.constant 32 : i32
        %add3A_578 = arith.addi %add3A_577, %scan3A_374 : i32
        %swap3A_579 = arith.index_cast %add3A_578 : i32 to index
        %swap3A_580 = arith.constant 64 : index
        %swap3A_581 = tpu.vector_load %arg11[%swap3A_579, %swap3A_580] {strides = array<i32>} : memref<64x96xf32, #tpu.memory_space<vmem>>, vector<16xf32>,
        tpu.vector_store %arg11[%swap3A_579, %swap3A_580], %add3A_576 {strides = array<i32>} : memref<64x96xf32, #tpu.memory_space<vmem>>, vector<16xf32>,
        %get3A_582 = arith.index_cast %add3A_431 : i32 to index
        %get3A_583 = arith.constant 80 : index
        %get3A_584 = tpu.vector_load %arg10[%get3A_582, %get3A_583] {strides = array<i32>} : memref<256x96xf32, #tpu.memory_space<vmem>>, vector<16xf32>,
        %add3A_585 = arith.constant 16 : i32
        %add3A_586 = arith.addi %add3A_431, %add3A_585 : i32
        %get3A_587 = arith.index_cast %add3A_586 : i32 to index
        %get3A_588 = arith.constant 80 : index
        %get3A_589 = tpu.vector_load %arg10[%get3A_587, %get3A_588] {strides = array<i32>} : memref<256x96xf32, #tpu.memory_space<vmem>>, vector<16xf32>,
        %add3A_590 = arith.constant 32 : i32
        %add3A_591 = arith.addi %add3A_431, %add3A_590 : i32
        %get3A_592 = arith.index_cast %add3A_591 : i32 to index
        %get3A_593 = arith.constant 80 : index
        %get3A_594 = tpu.vector_load %arg10[%get3A_592, %get3A_593] {strides = array<i32>} : memref<256x96xf32, #tpu.memory_space<vmem>>, vector<16xf32>,
        %add3A_595 = arith.constant 48 : i32
        %add3A_596 = arith.addi %add3A_431, %add3A_595 : i32
        %get3A_597 = arith.index_cast %add3A_596 : i32 to index
        %get3A_598 = arith.constant 80 : index
        %get3A_599 = tpu.vector_load %arg10[%get3A_597, %get3A_598] {strides = array<i32>} : memref<256x96xf32, #tpu.memory_space<vmem>>, vector<16xf32>,
        %mul3A_600 = arith.mulf %gather3A, %get3A_584 : vector<16xf32>
        %mul3A_601 = arith.mulf %gather3A_421, %get3A_589 : vector<16xf32>
        %add3A_602 = arith.addf %mul3A_600, %mul3A_601 : vector<16xf32>
        %mul3A_603 = arith.mulf %gather3A_425, %get3A_594 : vector<16xf32>
        %add3A_604 = arith.addf %add3A_602, %mul3A_603 : vector<16xf32>
        %mul3A_605 = arith.mulf %gather3A_429, %get3A_599 : vector<16xf32>
        %add3A_606 = arith.addf %add3A_604, %mul3A_605 : vector<16xf32>
        %add3A_607 = arith.constant 32 : i32
        %add3A_608 = arith.addi %add3A_607, %scan3A_374 : i32
        %swap3A_609 = arith.index_cast %add3A_608 : i32 to index
        %swap3A_610 = arith.constant 80 : index
        %swap3A_611 = tpu.vector_load %arg11[%swap3A_609, %swap3A_610] {strides = array<i32>} : memref<64x96xf32, #tpu.memory_space<vmem>>, vector<16xf32>,
        tpu.vector_store %arg11[%swap3A_609, %swap3A_610], %add3A_606 {strides = array<i32>} : memref<64x96xf32, #tpu.memory_space<vmem>>, vector<16xf32>,
      }
      %scan3A_360 = arith.constant 32 : i32
      %mul3A_361 = arith.constant 32 : i32
      %mul3A_362 = arith.muli %add3A_330, %mul3A_361 : i32
      %add3A_363 = arith.addi %mul3A_2, %mul3A_362 : i32
      %dma_start3A_364 = arith.constant 32 : i32
      %dma_start3A_365 = arith.constant 0 : i32
      %dma_start3A_366 = tpu.memref_slice %arg11[%dma_start3A_364, %dma_start3A_365] : memref<64x96xf32, #tpu.memory_space<vmem>> -> memref<32x96xf32, #tpu.memory_space<vmem>>
      %dma_start3A_367 = arith.constant 0 : i32
      %dma_start3A_368 = tpu.memref_slice %arg5[%add3A_363, %dma_start3A_367] : memref<401408x96xf32, #tpu.memory_space<hbm>> -> memref<32x96xf32, #tpu.memory_space<hbm>>
      %dma_start3A_369 = arith.constant 0 : i32
      %dma_start3A_370 = tpu.memref_slice %arg5[%add3A_363, %dma_start3A_369] : memref<401408x96xf32, #tpu.memory_space<hbm>> -> memref<32x96xf32, #tpu.memory_space<hbm>>
      %dma_start3A_371 = arith.constant 32 : i32
      %dma_start3A_372 = arith.constant 0 : i32
      %dma_start3A_373 = tpu.memref_slice %arg11[%dma_start3A_371, %dma_start3A_372] : memref<64x96xf32, #tpu.memory_space<vmem>> -> memref<32x96xf32, #tpu.memory_space<vmem>>
      tpu.enqueue_dma source(%dma_start3A_373 : memref<32x96xf32, #tpu.memory_space<vmem>>) target(%dma_start3A_370 : memref<32x96xf32, #tpu.memory_space<hbm>>) target_semaphore(%arg15 : memref<!tpu.dma_semaphore, #tpu.memory_space<semaphore_mem>>)
    }
    %scan3A_263 = arith.constant 196 : i32
    %dma_wait3A = arith.constant 0 : i32
    %dma_wait3A_264 = arith.constant 0 : i32
    %dma_wait3A_265 = tpu.memref_slice %arg11[%dma_wait3A, %dma_wait3A_264] : memref<64x96xf32, #tpu.memory_space<vmem>> -> memref<32x96xf32, #tpu.memory_space<vmem>>
    %dma_wait3A_266 = arith.constant 0 : i32
    %dma_wait3A_267 = tpu.memref_slice %arg5[%mul3A_2, %dma_wait3A_266] : memref<401408x96xf32, #tpu.memory_space<hbm>> -> memref<32x96xf32, #tpu.memory_space<hbm>>
    %dma_wait3A_268 = arith.constant 0 : i32
    %dma_wait3A_269 = tpu.memref_slice %arg5[%mul3A_2, %dma_wait3A_268] : memref<401408x96xf32, #tpu.memory_space<hbm>> -> memref<32x96xf32, #tpu.memory_space<hbm>>
    %dma_wait3A_270 = arith.constant 0 : i32
    %dma_wait3A_271 = arith.constant 0 : i32
    %dma_wait3A_272 = tpu.memref_slice %arg11[%dma_wait3A_270, %dma_wait3A_271] : memref<64x96xf32, #tpu.memory_space<vmem>> -> memref<32x96xf32, #tpu.memory_space<vmem>>
    tpu.wait_dma2 semaphore(%arg14 : memref<!tpu.dma_semaphore, #tpu.memory_space<semaphore_mem>>) src(%dma_wait3A_272 : memref<32x96xf32, #tpu.memory_space<vmem>>) dst(%dma_wait3A_269 : memref<32x96xf32, #tpu.memory_space<hbm>>)
    %dma_wait3A_273 = arith.constant 32 : i32
    %dma_wait3A_274 = arith.constant 0 : i32
    %dma_wait3A_275 = tpu.memref_slice %arg11[%dma_wait3A_273, %dma_wait3A_274] : memref<64x96xf32, #tpu.memory_space<vmem>> -> memref<32x96xf32, #tpu.memory_space<vmem>>
    %dma_wait3A_276 = arith.constant 0 : i32
    %dma_wait3A_277 = tpu.memref_slice %arg5[%mul3A_2, %dma_wait3A_276] : memref<401408x96xf32, #tpu.memory_space<hbm>> -> memref<32x96xf32, #tpu.memory_space<hbm>>
    %dma_wait3A_278 = arith.constant 0 : i32
    %dma_wait3A_279 = tpu.memref_slice %arg5[%mul3A_2, %dma_wait3A_278] : memref<401408x96xf32, #tpu.memory_space<hbm>> -> memref<32x96xf32, #tpu.memory_space<hbm>>
    %dma_wait3A_280 = arith.constant 32 : i32
    %dma_wait3A_281 = arith.constant 0 : i32
    %dma_wait3A_282 = tpu.memref_slice %arg11[%dma_wait3A_280, %dma_wait3A_281] : memref<64x96xf32, #tpu.memory_space<vmem>> -> memref<32x96xf32, #tpu.memory_space<vmem>>
    tpu.wait_dma2 semaphore(%arg15 : memref<!tpu.dma_semaphore, #tpu.memory_space<semaphore_mem>>) src(%dma_wait3A_282 : memref<32x96xf32, #tpu.memory_space<vmem>>) dst(%dma_wait3A_279 : memref<32x96xf32, #tpu.memory_space<hbm>>)
    return
  }
}

</mosaic_0001>

<sc_bundles>
// kernel: kernel.3.cloned.1.call-start
scs
__scs_entry_jumppad:
0x0: {  	(pc) =	sbr.rel $0x88, $3  }
0x1: {  	(tag) =	ssettag $0x0;
	lr =	simm.s32 $0x1  }
0x2: {  	[smem:$0x3F9F] =	sst lr;
	_ =	strace $0xD0000000  }
0x3: {  	_ = 	snop  }
0x4: {  	_ = 	snop  }
0x5: {  	_ = 	snop  }
0x6: {  	_ = 	snop  }
0x7: {  	_ = 	snop  }
__scs_overlays_trampoline_lowered:
0x8: {  	[smem:$0x3FAE] =	sst s0  }
0x9: {  	[smem:$0x3FAF] =	sst s1  }
0xa: {  	[smem:$0x3FB0] =	sst s2  }
0xb: {  	[smem:$0x3FB1] =	sst s3  }
0xc: {  	[smem:$0x3FB2] =	sst s4  }
0xd: {  	[smem:$0x3FB3] =	sst s5  }
0xe: {  	[smem:$0x3FB4] =	sst s6  }
0xf: {  	[smem:$0x3FB5] =	sst s7  }
0x10: {  	[smem:$0x3FB6] =	sst s8  }
0x11: {  	[smem:$0x3FB7] =	sst s9;
	s0 =	simm.s32 @!p0 $0x0  }
0x12: {  	s1 =	sld [smem:$0x3F9D];
	s0 =	simm.s32 @p0 $0x1  }
0x13: {  	[smem:$0x3FB8] =	sst s0;
	s0 =	simm.s32 @!p1 $0x0  }
0x14: {  	s2 =	sld [smem:$0x3F9C];
	s0 =	simm.s32 @p1 $0x1  }
0x15: {  	[smem:$0x3FB9] =	sst s0;
	s0 =	simm.s32 @!p2 $0x0  }
0x16: {  	s3 =	sld [smem:$0x3FDB];
	s0 =	simm.s32 @p2 $0x1  }
0x17: {  	s4 =	simm.s32 $0x1BF5;
	[smem:$0x3FBB] =	sst s0  }
0x18: {  	s0 =	sld [smem:$0x3F9E];
	_ =	swait.ge [sflag:s4], $0x0  }
0x19: {  	s7 =	sld [smem:$0x3F9F]  }
0x1a: {  	s8 =	sadd.s32 $0xFFFFE003, lr  }
0x1b: {  	s9 =	sadd.s32 $0xFFFFFEF7, lr;
	s5 =	simm.s32 $0xFFFFFFFF;
	p2 =	slt.u32 s8, $0xFFFFF086  }
0x1c: {  	p1 =	slt.u32 s9, $0xF7A;
	s5 =	simm.s32 @!p2 $0x0  }
0x1d: {  	s5 =	simm.s32 @p1 $0x1;
	p0 =	seq.s32 s7, s2  }
0x1e: {  	s7 =	smul.u32 @!p0 $0xF7A, s2;
	p2 =	seq.s32 @!p0 s5, $0x0  }
0x1f: {  	s9 =	smul.u32 $0xF7A, s1;
	s8 =	simm.s32 @!p0 $0x1BF5;
	p2 =	por !p2, p0  }
0x20: {  	[sflag:s8] =	ssyncset.s32 @!p0 $0xFFFFF086;
	s6 =	sadd.s32 @!p0 s3, s7;
	s7 =	simm.s32 @!p0 $0x108  }
0x21: {  	s3 =	sadd.s32 s3, s9;
	s6 =	sadd.s32 @!p0 $0x88, s6;
	s7 =	simm.s32 @p2 $0x1082  }
0x22: {  	[simem:s7], [sflag:s8] =	dma.local @!p0 [hbm:s6], $0xF7A  }
0x23: {  	s9 =	sor.u32 $0xD0000000, s2;
	s6 =	simm.s32 $0x108;
	_ =	swait.ge @!p0 [sflag:s8], $0x0  }
0x24: {  	s3 =	sadd.s32 $0x88, s3;
	s6 =	simm.s32 @!p1 $0x1082;
	[sflag:s4] =	ssyncset.s32 $0xFFFFF086  }
0x25: {  	[simem:s6], [sflag:s4] =	dma.local [hbm:s3], $0xF7A  }
0x26: {  	[smem:$0x3F9F] =	sst s1;
	(tag) =	ssettag s2;
	_ =	strace s9  }
0x27: {  	s1 =	sld [smem:$0x3FAF]  }
0x28: {  	s2 =	sld [smem:$0x3FB0]  }
0x29: {  	s4 =	sld [smem:$0x3FB2]  }
0x2a: {  	p0 =	seq.s32 s5, $0x0;
	s5 =	sld [smem:$0x3FB3]  }
0x2b: {  	s6 =	sld [smem:$0x3FB4]  }
0x2c: {  	s7 =	sld [smem:$0x3FB5]  }
0x2d: {  	s3 =	simm.s32 $0x108;
	s8 =	sld [smem:$0x3FB6]  }
0x2e: {  	s3 =	simm.s32 @!p0 $0x1082;
	s9 =	sld [smem:$0x3FB7]  }
0x2f: {  	lr =	sadd.s32 s0, s3;
	s0 =	sld [smem:$0x3FAE]  }
0x30: {  	s3 =	sld [smem:$0x3FB1]  }
0x31: {  	[smem:$0x3FBA] =	sst s10  }
0x32: {  	s10 =	sld [smem:$0x3FB8];
	_ =	sdelay $0x3  }
0x33: {  	p0 =	seq.s32 s10, $0x1;
	s10 =	sld [smem:$0x3FBA];
	_ =	sdelay $0x3  }
0x34: {  	[smem:$0x3FBA] =	sst s10  }
0x35: {  	s10 =	sld [smem:$0x3FB9];
	_ =	sdelay $0x3  }
0x36: {  	p1 =	seq.s32 s10, $0x1;
	s10 =	sld [smem:$0x3FBA];
	_ =	sdelay $0x3  }
0x37: {  	[smem:$0x3FBA] =	sst s10  }
0x38: {  	s10 =	sld [smem:$0x3FBB]  }
0x39: {  	_ = 	snop;
	(pc) =	sbr.ind lr, $3  }
0x3a: {  	_ = 	snop  }
0x3b: {  	_ = 	snop  }
0x3c: {  	p2 =	seq.s32 s10, $0x1;
	s10 =	sld [smem:$0x3FBA]  }
0x3d: {  	_ =	shalt  }
0x3e: {  	_ =	shalt  }
0x3f: {  	_ =	shalt  }
0x40: {  	_ =	shalt  }
0x41: {  	_ =	shalt  }
0x42: {  	_ =	shalt  }
0x43: {  	_ =	shalt  }
0x44: {  	_ =	shalt  }
0x45: {  	_ =	shalt  }
0x46: {  	_ =	shalt  }
0x47: {  	_ =	shalt  }
0x48: {  	_ =	shalt  }
0x49: {  	_ =	shalt  }
0x4a: {  	_ =	shalt  }
0x4b: {  	_ =	shalt  }
0x4c: {  	_ =	shalt  }
0x4d: {  	_ =	shalt  }
0x4e: {  	_ =	shalt  }
0x4f: {  	_ =	shalt  }
0x50: {  	_ =	shalt  }
0x51: {  	_ =	shalt  }
0x52: {  	_ =	shalt  }
0x53: {  	_ =	shalt  }
0x54: {  	_ =	shalt  }
0x55: {  	_ =	shalt  }
0x56: {  	_ =	shalt  }
0x57: {  	_ =	shalt  }
0x58: {  	_ =	shalt  }
0x59: {  	_ =	shalt  }
0x5a: {  	_ =	shalt  }
0x5b: {  	_ =	shalt  }
0x5c: {  	_ =	shalt  }
0x5d: {  	_ =	shalt  }
0x5e: {  	_ =	shalt  }
0x5f: {  	_ =	shalt  }
0x60: {  	_ =	shalt  }
0x61: {  	_ =	shalt  }
0x62: {  	_ =	shalt  }
0x63: {  	_ =	shalt  }
0x64: {  	_ =	shalt  }
0x65: {  	_ =	shalt  }
0x66: {  	_ =	shalt  }
0x67: {  	_ =	shalt  }
0x68: {  	_ =	shalt  }
0x69: {  	_ =	shalt  }
0x6a: {  	_ =	shalt  }
0x6b: {  	_ =	shalt  }
0x6c: {  	_ =	shalt  }
0x6d: {  	_ =	shalt  }
0x6e: {  	_ =	shalt  }
0x6f: {  	_ =	shalt  }
0x70: {  	_ =	shalt  }
0x71: {  	_ =	shalt  }
0x72: {  	_ =	shalt  }
0x73: {  	_ =	shalt  }
0x74: {  	_ =	shalt  }
0x75: {  	_ =	shalt  }
0x76: {  	_ =	shalt  }
0x77: {  	_ =	shalt  }
0x78: {  	_ =	shalt  }
0x79: {  	_ =	shalt  }
0x7a: {  	_ =	shalt  }
0x7b: {  	_ =	shalt  }
0x7c: {  	_ =	shalt  }
0x7d: {  	_ =	shalt  }
0x7e: {  	_ =	shalt  }
0x7f: {  	_ =	shalt  }
0x80: {  	_ =	shalt  }
0x81: {  	_ =	shalt  }
0x82: {  	_ =	shalt  }
0x83: {  	_ =	shalt  }
0x84: {  	_ =	shalt  }
0x85: {  	_ =	shalt  }
0x86: {  	_ =	shalt  }
0x87: {  	_ =	shalt  }
.Lfunc_end0:
.L_simem_size_0:
called_computation.1_lowered:
.L_overlay_start_0:
0x88: {  	s2 =	sld [smem:$0x3FD9]  }
0x89: {  	s3 =	sld [smem:$0x3FFE];
	_ =	sdelay $0x1  }
0x8a: {  	s1 =	srdreg.scid  }
0x8b: {  	s0 =	sand.u32 $0x1, s1  }
0x8c: {  	s17 =	sshll.u32 s0, $0xA;
	s2 =	sadd.s32 s3, s2  }
0x8d: {  	s2 =	sadd.s32 s2, s17  }
0x8e: {  	[smem:$0x3FC6] =	sst s2  }
0x8f: {  	_ = 	snop  }
0x90: {  	s2 =	sld [smem:$0x3FD0];
	(tm) =	ssettm $0x1  }
0x91: {  	s18 =	sld [smem:$0x3FFB];
	_ =	sdelay $0x3  }
0x92: {  	_ =	strace s18  }
0x93: {  	s3 =	sld [smem:$0x3FFC];
	_ =	sdelay $0x3  }
0x94: {  	_ =	strace s3  }
0x95: {  	s3 =	sld [smem:$0x3FFD];
	_ =	sdelay $0x3  }
0x96: {  	_ =	strace s3  }
0x97: {  	_ =	strace $0x8FFFFFFF  }
0x98: {  	s19 =	sld [smem:$0x3FDB];
	_ =	sdelay $0x1  }
0x99: {  	s4 =	simm.s32 $_scs_section_size  }
0x9a: {  	s5 =	simm.s32 $_size__tile_overlayer_lowered;
	s6 =	simm.s32 $_tile_overlayer_lowered  }
0x9b: {  	s22 =	simm.s32 $0x1BFF;
	s21 =	sshll.u32 s6, $0x1;
	s3 =	sadd.s32 s4, s19  }
0x9c: {  	s7 =	simm.s32 $0x0;
	s20 =	sshll.u32 s5, $0x1;
	s5 =	sadd.s32 s21, s3  }
0x9d: {  	[timem:s7], [sflag:s22] =	dma.local [hbm:s5], s20  }
0x9e: {  	_ =	swait.ge [sflag:s22], s20  }
0x9f: {  	s4 =	ssub.s32 $0x0, s20;
	[sflag:s22] =	ssyncset.done $0x0  }
0xa0: {  	[sflag:s22] =	ssyncadd.s32 s4;
	_ =	sdelay $0x1  }
0xa1: {  	s23 =	simm.s32 $0x1B8B  }
0xa2: {  	_ =	swait.ge [sflag:s23], $0x1  }
0xa3: {  	[sflag:s23] =	ssyncset.done $0x0  }
0xa4: {  	s25 =	simm.s32 $0x1B8E;
	s24 =	sld [smem:$0x3FFE];
	[sflag:s23] =	ssyncadd.s32 $0xFFFFFFFF  }
0xa5: {  	s26 =	simm.s32 $execute0_lowered;
	[smem:$0x3FD2] =	sst s25  }
0xa6: {  	s5 =	sshll.u32 s26, $0x1;
	_ =	strace $0x80000046;
	[dreg:$0x1] =	wrdreg $0xFFFFFFFF  }
0xa7: {  	s28 =	simm.s32 $_size_execute0_lowered;
	s3 =	sadd.s32 s3, s5;
	[dreg:$0x0] =	wrdreg $0x0  }
0xa8: {  	s5 =	sshll.u32 s28, $0x1;
	[dreg:$0x2] =	wrdreg s3  }
0xa9: {  	[dreg:$0x3] =	wrdreg s5  }
0xaa: {  	[dreg:$0x4] =	wrdreg $0xC0  }
0xab: {  	_ =	task [dreg:s7], $0x5FFFF  }
0xac: {  	[dreg:$0x1] =	wrdreg $0xFFFFFFFF  }
0xad: {  	[dreg:$0x0] =	wrdreg $0x60  }
0xae: {  	[dreg:$0x2] =	wrdreg s2  }
0xaf: {  	[dreg:$0x3] =	wrdreg s24  }
0xb0: {  	[dreg:$0x4] =	wrdreg $0x9  }
0xb1: {  	_ =	task.clear_ibuf [dreg:s7], $0x5FFFF;
	_ =	strace $0x90000046  }
0xb2: {  	s29 =	simm.s32 $0x9;
	_ =	strace $0x80000048  }
0xb3: {  	_ =	swait.ge [sflag:s29], $0x1  }
0xb4: {  	[sflag:s29] =	ssyncadd.s32 $0xFFFFFFFF  }
0xb5: {  	_ =	strace $0x90000048  }
0xb6: {  	_ =	sfence  }
0xb7: {  	s30 =	sld [smem:$0x0];
	_ =	sdelay $0x2  }
0xb8: {  	s31 =	sshll.u32 s1, $0xD;
	s1 =	sshrl.u32 s1, $0x2  }
0xb9: {  	s3 =	sand.u32 $0x4000, s31;
	s1 =	sadd.s32 s1, s30  }
0xba: {  	s0 =	sor.u32 s3, s0;
	s1 =	sshll.u32 s1, $0x11  }
0xbb: {  	s0 =	sor.u32 s1, s0  }
0xbc: {  	s0 =	sadd.s32 $0x8F2B, s0  }
0xbd: {  	[sflag:s0] =	ssyncadd.remote.s32 $0x1  }
0xbe: {  	_ =	sfence.sel $0xFFFF  }
0xbf: {  	[dreg:$0x0] =	wrdreg $0xFFFFFFFF;
	(pc) =	sbr.abs _section_cstart, $3  }
0xc0: {  	[dreg:$0x1] =	wrdreg $0xFFFFFFFF  }
0xc1: {  	_ =	task.clear_ibuf [dreg:s7], $0x2FFFF;
	_ =	strace $0x9FFFFFFF  }
0xc2: {  	(tm) =	ssettm $0x7FFFFFFF  }
0xc3: {  	_ =	shalt  }
tec
execute0_lowered:
.L_overlay_start_1:
0x0: {  	(tag) =	ssettag $0x1  }
0x1: {  	s0 =	srdreg.scid;
	s2 =	rddreg [dreg:$0x0]  }
0x2: {  	s1 =	rddreg [dreg:$0x1];
	s5 =	stileid.u32  }
0x3: {  	s3 =	simm.s32 $0x0;
	s10 =	simm.s32 $0x5;
	s12 =	simm.s32 $0x80  }
0x4: {  	s13 =	simm.s32 $0x6200;
	s14 =	simm.s32 $0x6400;
	s15 =	simm.s32 $0x6280  }
0x5: {  	s16 =	simm.s32 $0x9400;
	s17 =	simm.s32 $0x6300;
	s0 =	sand.u32 $0x1, s0  }
0x6: {  	s18 =	simm.s32 $0xC400;
	s19 =	simm.s32 $0x2;
	s4 =	sshll.u32 s0, $0x4  }
0x7: {  	s20 =	simm.s32 $0x4;
	s21 =	simm.s32 $0xD000;
	s6 =	sor.u32 s5, s4  }
0x8: {  	s22 =	simm.s32 $0x3;
	s5 =	sand.u32 $0x3, s5;
	s4 =	smul.u32 $0x3100, s6  }
0x9: {  	s23 =	simm.s32 $0x0;
	p0 =	seq.s32 s6, $0x0;
	p1 =	sne.s32 s5, $0x0  }
0xa: {  	s5 =	sadd.s32 $0x19200, s1;
	p0 =	por !p1, !p0;
	s7 =	sshrl.u32 s4, $0x3  }
0xb: {  	p0 =	por !p0, !p0;
	s8 =	sadd.s32 s7, s1;
	s1 =	simm.s32 $0x1  }
0xc: {  	[smem:$0x7FF] =	sst s3;
	s9 =	sshrl.u32 s6, $0x2;
	s1 =	simm.s32 @!p0 $0x0  }
0xd: {  	_ =	strace $0x80000047;
	s0 =	ssub.s32 $0x2, s0;
	s1 =	ssub.s32 s9, s1  }
0xe: {  	s29 =	sshrl.u32 s0, $0x1;
	s30 =	sadd.s32 $0xCE00, s8;
	s1 =	smul.u32 $0xC400, s1  }
0xf: {  	s0 =	ssub.s32 s0, s29;
	s31 =	sadd.s32 $0xA00, s8;
	[dreg:$0x3] =	wrdreg s30  }
0x10: {  	s6 =	simm.s32 $0x1;
	[dreg:$0x4] =	wrdreg s31;
	s9 =	smax.u32 s0, $0x1;
	v0 =	vmov s1  }
.LBB2_1:
0x11: {  	s0 =	rddreg [dreg:$0x3]  }
0x12: {  	[tilespmem:s3], [sflag:$0x5] =	stream.linear.gather [hbm4b:s0+s3], $0x3100, $0x38;
	[tilespmem:$0xDC00] =	vst v63  }
0x13: {  	_ =	swait.ge [sflag:s10], $0x3100  }
0x14: {  	[sflag:s10] =	ssyncset.done $0x0  }
0x15: {  	s1 =	simm.s32 $0x3100;
	s31 =	rddreg [dreg:$0x4];
	[sflag:s10] =	ssyncadd.s32 $0xFFFFCF00  }
0x16: {  	[tilespmem:s1], [sflag:$0x5] =	stream.linear.gather [hbm4b:s31+s3], $0x3100, $0x38;
	[tilespmem:$0xDC00] =	vst v63  }
0x17: {  	_ =	swait.ge [sflag:s10], $0x3100  }
0x18: {  	[sflag:s10] =	ssyncset.done $0x0  }
0x19: {  	[sflag:s10] =	ssyncadd.s32 $0xFFFFCF00  }
0x1a: {  	v1 =	vld [tilespmem:$0x0]  }
0x1b: {  	v2 =	vld [tilespmem:$0x3100]  }
0x1c: {  	v5 =	vld [tilespmem:$0x10]  }
0x1d: {  	v8 =	vld [tilespmem:$0x3110];
	_ =	sdelay $0x3  }
0x1e: {  	v1 =	vadd.f32 $1.000000000e+00, v1;
	v2 =	vadd.f32 $1.000000000e+00, v2  }
0x1f: {  	v5 =	vadd.f32 $1.000000000e+00, v5;
	v8 =	vadd.f32 $1.000000000e+00, v8  }
0x20: {  	v1 =	vmul.f32 $5.000000000e-01, v1;
	v2 =	vmul.f32 $5.000000000e-01, v2  }
0x21: {  	v5 =	vmul.f32 $5.000000000e-01, v5;
	v8 =	vmul.f32 $5.000000000e-01, v8  }
0x22: {  	v1 =	vmul.f32 $2.240000000e+02, v1;
	v2 =	vmul.f32 $2.240000000e+02, v2  }
0x23: {  	v5 =	vmul.f32 $2.240000000e+02, v5;
	v8 =	vmul.f32 $2.240000000e+02, v8  }
0x24: {  	v3 =	vtrunc.f32 v1;
	v4 =	vtrunc.f32 v2  }
0x25: {  	v14 =	vtrunc.f32 v5;
	v3 =	vcvt.f32.s32 v3  }
0x26: {  	v4 =	vcvt.f32.s32 v4;
	v53 =	vcvt.f32.s32 v14  }
0x27: {  	v55 =	vtrunc.f32 v8;
	vm0 =	vgt.s32 v3, $0x0  }
0x28: {  	vm9 =	vgt.s32 v4, $0x0;
	vm12 =	vgt.s32 v53, $0x0;
	v6 =	vnsel vm0, $0x0, v3  }
0x29: {  	v3 =	vadd.s32 $0x1, v3;
	v7 =	vnsel vm9, $0x0, v4;
	v4 =	vadd.s32 $0x1, v4  }
0x2a: {  	vm10 =	vgt.s32 v3, $0x0;
	v7 =	vmin.u32 v7, $0xDF;
	vm11 =	vgt.s32 v4, $0x0  }
0x2b: {  	v6 =	vmin.u32 v6, $0xDF;
	v3 =	vnsel vm10, $0x0, v3;
	v4 =	vnsel vm11, $0x0, v4  }
0x2c: {  	v9 =	vmul.u32 $0xE0, v7;
	v10 =	vcvt.s32.f32 v6;
	v3 =	vmin.u32 v3, $0xDF  }
0x2d: {  	v7 =	vcvt.s32.f32 v7;
	v4 =	vmin.u32 v4, $0xDF;
	v11 =	vcvt.s32.f32 v3  }
0x2e: {  	v9 =	vadd.s32 v0, v9;
	v12 =	vmul.u32 $0xE0, v4;
	v4 =	vcvt.s32.f32 v4  }
0x2f: {  	v13 =	vadd.s32 v6, v9;
	v9 =	vadd.s32 v3, v9;
	v11 =	vsub.f32 v11, v1  }
0x30: {  	v12 =	vadd.s32 v0, v12;
	v4 =	vsub.f32 v4, v2;
	v2 =	vsub.f32 v2, v7  }
0x31: {  	v1 =	vsub.f32 v1, v10;
	v10 =	vcvt.f32.s32 v55;
	v7 =	vadd.s32 $0x1, v53  }
0x32: {  	v6 =	vadd.s32 v6, v12;
	v3 =	vadd.s32 v3, v12;
	v54 =	vmul.f32 v4, v11  }
0x33: {  	[tilespmem:$0x6200] =	vst v13;
	vm15 =	vgt.s32 v7, $0x0;
	v11 =	vmul.f32 v2, v11;
	v4 =	vmul.f32 v4, v1  }
0x34: {  	[tilespmem:$0x6220] =	vst v9;
	v1 =	vmul.f32 v2, v1;
	vm13 =	vgt.s32 v10, $0x0;
	v56 =	vadd.s32 $0x1, v10  }
0x35: {  	v2 =	vnsel vm12, $0x0, v53;
	[tilespmem:$0x6210] =	vst v6;
	v57 =	vnsel vm13, $0x0, v10;
	vm14 =	vgt.s32 v56, $0x0  }
0x36: {  	[tilespmem:$0x6230] =	vst v3;
	v7 =	vnsel vm15, $0x0, v7;
	v3 =	vnsel vm14, $0x0, v56;
	v58 =	vmin.u32 v57, $0xDF  }
0x37: {  	v2 =	vmin.u32 v2, $0xDF;
	[tilespmem:$0x6300] =	vst v54;
	v3 =	vmin.u32 v3, $0xDF;
	v9 =	vmul.u32 $0xE0, v58  }
0x38: {  	v7 =	vmin.u32 v7, $0xDF;
	[tilespmem:$0x6310] =	vst v11;
	v59 =	vcvt.s32.f32 v2;
	v60 =	vmul.u32 $0xE0, v3  }
0x39: {  	[tilespmem:$0x6320] =	vst v4;
	v61 =	vcvt.s32.f32 v7;
	v3 =	vcvt.s32.f32 v3;
	v9 =	vadd.s32 v0, v9  }
0x3a: {  	[tilespmem:$0x6330] =	vst v1;
	v1 =	vcvt.s32.f32 v58;
	v62 =	vadd.s32 v2, v9;
	v11 =	vadd.s32 v0, v60  }
0x3b: {  	v4 =	vsub.f32 v61, v5;
	v3 =	vsub.f32 v3, v8;
	v2 =	vadd.s32 v2, v11;
	[tilespmem:$0x6240] =	vst v62  }
0x3c: {  	v5 =	vsub.f32 v5, v59;
	[tilespmem:$0x6250] =	vst v2;
	v2 =	vadd.s32 v7, v9  }
0x3d: {  	v1 =	vsub.f32 v8, v1;
	v63 =	vmul.f32 v3, v4;
	[tilespmem:$0x6260] =	vst v2;
	v2 =	vadd.s32 v7, v11  }
0x3e: {  	v3 =	vmul.f32 v3, v5;
	[tilespmem:$0x6270] =	vst v2  }
0x3f: {  	v2 =	vmul.f32 v1, v4;
	[tilespmem:$0x6340] =	vst v63  }
0x40: {  	v1 =	vmul.f32 v1, v5;
	[tilespmem:$0x6360] =	vst v3  }
0x41: {  	[tilespmem:$0x6350] =	vst v2  }
0x42: {  	s24 =	simm.s32 $0x0;
	[tilespmem:$0x6370] =	vst v1  }
0x43: {  	[tilespmem:s14], [sflag:$0x1] =	stream.indirect.gather [hbm4b:s2+s12], $0x60, s13, s12, $0xb8;
	[tilespmem:$0xDC00] =	vst v63  }
.LBB2_2:
0x44: {  	s26 =	sshll.u32 s24, $0x6  }
0x45: {  	v1 =	vld [tilespmem:s26+$0x20]  }
0x46: {  	v2 =	vld [tilespmem:s26+$0x3120];
	_ =	sdelay $0x4  }
0x47: {  	v1 =	vadd.f32 $1.000000000e+00, v1;
	v2 =	vadd.f32 $1.000000000e+00, v2;
	_ =	sdelay $0x1  }
0x48: {  	v1 =	vmul.f32 $5.000000000e-01, v1;
	v2 =	vmul.f32 $5.000000000e-01, v2;
	_ =	sdelay $0x1  }
0x49: {  	v1 =	vmul.f32 $2.240000000e+02, v1;
	v2 =	vmul.f32 $2.240000000e+02, v2;
	_ =	sdelay $0x1  }
0x4a: {  	v3 =	vtrunc.f32 v1;
	v4 =	vtrunc.f32 v2  }
0x4b: {  	v3 =	vcvt.f32.s32 v3;
	v4 =	vcvt.f32.s32 v4;
	_ =	sdelay $0x1  }
0x4c: {  	vm0 =	vgt.s32 v3, $0x0;
	vm9 =	vgt.s32 v4, $0x0  }
0x4d: {  	v6 =	vadd.s32 $0x1, v4;
	v5 =	vnsel vm0, $0x0, v3;
	v3 =	vadd.s32 $0x1, v3  }
0x4e: {  	v4 =	vnsel vm9, $0x0, v4;
	vm10 =	vgt.s32 v6, $0x0;
	v5 =	vmin.u32 v5, $0xDF  }
0x4f: {  	v6 =	vnsel vm10, $0x0, v6;
	vm11 =	vgt.s32 v3, $0x0;
	v4 =	vmin.u32 v4, $0xDF  }
0x50: {  	v3 =	vnsel vm11, $0x0, v3;
	v6 =	vmin.u32 v6, $0xDF;
	v7 =	vmul.u32 $0xE0, v4  }
0x51: {  	v8 =	vcvt.s32.f32 v5;
	v3 =	vmin.u32 v3, $0xDF;
	v9 =	vmul.u32 $0xE0, v6  }
0x52: {  	v6 =	vcvt.s32.f32 v6;
	v10 =	vcvt.s32.f32 v3;
	v7 =	vadd.s32 v0, v7  }
0x53: {  	v4 =	vcvt.s32.f32 v4;
	v11 =	vadd.s32 v5, v7;
	v9 =	vadd.s32 v0, v9  }
0x54: {  	v6 =	vsub.f32 v6, v2;
	v5 =	vadd.s32 v5, v9;
	[tilespmem:$0x6280] =	vst v11;
	v10 =	vsub.f32 v10, v1  }
0x55: {  	v2 =	vsub.f32 v2, v4;
	[tilespmem:$0x6290] =	vst v5;
	v5 =	vadd.s32 v3, v7  }
0x56: {  	v1 =	vsub.f32 v1, v8;
	v3 =	vadd.s32 v3, v9;
	[tilespmem:$0x62A0] =	vst v5;
	v4 =	vmul.f32 v6, v10  }
0x57: {  	[tilespmem:$0x62B0] =	vst v3;
	v3 =	vmul.f32 v2, v10  }
0x58: {  	[tilespmem:$0x6380] =	vst v4;
	v4 =	vmul.f32 v6, v1  }
0x59: {  	[tilespmem:$0x6390] =	vst v3;
	v1 =	vmul.f32 v2, v1  }
0x5a: {  	[tilespmem:$0x63A0] =	vst v4  }
0x5b: {  	[tilespmem:$0x63B0] =	vst v1  }
0x5c: {  	v1 =	vld [tilespmem:s26+$0x30]  }
0x5d: {  	v2 =	vld [tilespmem:s26+$0x3130];
	_ =	sdelay $0x4  }
0x5e: {  	v1 =	vadd.f32 $1.000000000e+00, v1;
	v2 =	vadd.f32 $1.000000000e+00, v2;
	_ =	sdelay $0x1  }
0x5f: {  	v1 =	vmul.f32 $5.000000000e-01, v1;
	v2 =	vmul.f32 $5.000000000e-01, v2;
	_ =	sdelay $0x1  }
0x60: {  	v1 =	vmul.f32 $2.240000000e+02, v1;
	v2 =	vmul.f32 $2.240000000e+02, v2;
	_ =	sdelay $0x1  }
0x61: {  	v3 =	vtrunc.f32 v1;
	v4 =	vtrunc.f32 v2  }
0x62: {  	v3 =	vcvt.f32.s32 v3;
	v4 =	vcvt.f32.s32 v4;
	_ =	sdelay $0x1  }
0x63: {  	vm12 =	vgt.s32 v3, $0x0;
	vm13 =	vgt.s32 v4, $0x0  }
0x64: {  	v6 =	vadd.s32 $0x1, v4;
	v5 =	vnsel vm12, $0x0, v3;
	v3 =	vadd.s32 $0x1, v3  }
0x65: {  	v4 =	vnsel vm13, $0x0, v4;
	vm14 =	vgt.s32 v6, $0x0;
	v5 =	vmin.u32 v5, $0xDF  }
0x66: {  	v6 =	vnsel vm14, $0x0, v6;
	vm15 =	vgt.s32 v3, $0x0;
	v4 =	vmin.u32 v4, $0xDF  }
0x67: {  	v3 =	vnsel vm15, $0x0, v3;
	v6 =	vmin.u32 v6, $0xDF;
	v7 =	vmul.u32 $0xE0, v4  }
0x68: {  	v56 =	vcvt.s32.f32 v5;
	v3 =	vmin.u32 v3, $0xDF;
	v57 =	vmul.u32 $0xE0, v6  }
0x69: {  	v6 =	vcvt.s32.f32 v6;
	v58 =	vcvt.s32.f32 v3;
	v7 =	vadd.s32 v0, v7  }
0x6a: {  	v4 =	vcvt.s32.f32 v4;
	v59 =	vadd.s32 v5, v7;
	v9 =	vadd.s32 v0, v57  }
0x6b: {  	v6 =	vsub.f32 v6, v2;
	v5 =	vadd.s32 v5, v9;
	[tilespmem:$0x62C0] =	vst v59;
	v10 =	vsub.f32 v58, v1  }
0x6c: {  	v2 =	vsub.f32 v2, v4;
	[tilespmem:$0x62D0] =	vst v5;
	v5 =	vadd.s32 v3, v7  }
0x6d: {  	v1 =	vsub.f32 v1, v56;
	v3 =	vadd.s32 v3, v9;
	[tilespmem:$0x62E0] =	vst v5;
	v4 =	vmul.f32 v6, v10  }
0x6e: {  	[tilespmem:$0x62F0] =	vst v3;
	v3 =	vmul.f32 v2, v10  }
0x6f: {  	[tilespmem:$0x63C0] =	vst v4;
	v4 =	vmul.f32 v6, v1  }
0x70: {  	[tilespmem:$0x63D0] =	vst v3;
	v1 =	vmul.f32 v2, v1  }
0x71: {  	s0 =	simm.s32 $0x0;
	[tilespmem:$0x63E0] =	vst v4  }
0x72: {  	s1 =	sand.u32 $0xF, s0;
	s0 =	sand.u32 $0x40, s0;
	[tilespmem:$0x63F0] =	vst v1  }
0x73: {  	[tilespmem:s16], [sflag:$0x2] =	stream.indirect.gather [hbm4b:s2+s12], $0x60, s15, s12, $0xb8;
	[tilespmem:$0xDC00] =	vst v63  }
0x74: {  	s0 =	sor.u32 s1, s0;
	_ =	swait.ge [sflag:s6], $0x3000  }
0x75: {  	p0 =	seq.s32 s24, $0x0;
	v2 =	vmov s0;
	[sflag:s6] =	ssyncset.done $0x0  }
0x76: {  	s1 =	simm.s32 @!p0 $0x3;
	[sflag:s6] =	ssyncadd.s32 $0xFFFFD000  }
0x77: {  	v3 =	vor.u32 $0x10, v2;
	_ =	swait.ge @!p0 [sflag:s1], $0xC00  }
0x78: {  	s0 =	smul.u32 $0x180, s0;
	[sflag:s1] =	ssyncset.done @!p0 $0x0  }
0x79: {  	v4 =	vor.u32 $0x20, v2;
	[sflag:s1] =	ssyncadd.s32 @!p0 $0xFFFFF400  }
0x7a: {  	s29 =	sshrl.u32 s0, $0x2;
	v1 =	vld.idx.msk [tilespmem:v2+s17+$0x0], $0xffff  }
0x7b: {  	v5 =	vor.u32 $0x30, v2;
	v6 =	vld [tilespmem:s29+$0x6A00]  }
0x7c: {  	v2 =	vld.idx.msk [tilespmem:v3+s17+$0x0], $0xffff  }
0x7d: {  	v7 =	vld [tilespmem:s29+$0x6400]  }
0x7e: {  	v4 =	vld.idx.msk [tilespmem:v4+s17+$0x0], $0xffff  }
0x7f: {  	v60 =	vld [tilespmem:s29+$0x7000]  }
0x80: {  	v3 =	vld.idx.msk [tilespmem:v5+s17+$0x0], $0xffff  }
0x81: {  	v5 =	vld [tilespmem:s29+$0x7600]  }
0x82: {  	v7 =	vmul.f32 v7, v1;
	v6 =	vmul.f32 v6, v2;
	_ =	sdelay $0x1  }
0x83: {  	v6 =	vadd.f32 v6, v7;
	v7 =	vmul.f32 v60, v4;
	_ =	sdelay $0x1  }
0x84: {  	v5 =	vmul.f32 v5, v3;
	v6 =	vadd.f32 v7, v6;
	_ =	sdelay $0x1  }
0x85: {  	v5 =	vadd.f32 v5, v6  }
0x86: {  	s30 =	simm.s32 $0xC430  }
0x87: {  	[tilespmem:s30+$0xFFFFFFD0] =	vst v5  }
0x88: {  	v5 =	vld [tilespmem:s29+$0x6410]  }
0x89: {  	v6 =	vld [tilespmem:s29+$0x6A10];
	_ =	sdelay $0x1  }
0x8a: {  	v7 =	vld [tilespmem:s29+$0x7010];
	_ =	sdelay $0x1  }
0x8b: {  	v61 =	vld [tilespmem:s29+$0x7610]  }
0x8c: {  	v5 =	vmul.f32 v5, v1;
	v6 =	vmul.f32 v6, v2;
	_ =	sdelay $0x1  }
0x8d: {  	v5 =	vadd.f32 v6, v5;
	v6 =	vmul.f32 v7, v4;
	_ =	sdelay $0x1  }
0x8e: {  	v5 =	vadd.f32 v6, v5;
	v6 =	vmul.f32 v61, v3;
	_ =	sdelay $0x1  }
0x8f: {  	v5 =	vadd.f32 v6, v5;
	_ =	sdelay $0x1  }
0x90: {  	[tilespmem:s30+$0xFFFFFFE0] =	vst v5  }
0x91: {  	v5 =	vld [tilespmem:s29+$0x6420]  }
0x92: {  	v6 =	vld [tilespmem:s29+$0x6A20];
	_ =	sdelay $0x1  }
0x93: {  	v7 =	vld [tilespmem:s29+$0x7020];
	_ =	sdelay $0x1  }
0x94: {  	v62 =	vld [tilespmem:s29+$0x7620]  }
0x95: {  	v5 =	vmul.f32 v5, v1;
	v6 =	vmul.f32 v6, v2;
	_ =	sdelay $0x1  }
0x96: {  	v5 =	vadd.f32 v6, v5;
	v6 =	vmul.f32 v7, v4;
	_ =	sdelay $0x1  }
0x97: {  	v5 =	vadd.f32 v6, v5;
	v6 =	vmul.f32 v62, v3;
	_ =	sdelay $0x1  }
0x98: {  	v5 =	vadd.f32 v6, v5;
	_ =	sdelay $0x1  }
0x99: {  	[tilespmem:s30+$0xFFFFFFF0] =	vst v5  }
0x9a: {  	v5 =	vld [tilespmem:s29+$0x6430]  }
0x9b: {  	v6 =	vld [tilespmem:s29+$0x6A30];
	_ =	sdelay $0x1  }
0x9c: {  	v7 =	vld [tilespmem:s29+$0x7030];
	_ =	sdelay $0x1  }
0x9d: {  	v63 =	vld [tilespmem:s29+$0x7630]  }
0x9e: {  	v5 =	vmul.f32 v5, v1;
	v6 =	vmul.f32 v6, v2;
	_ =	sdelay $0x1  }
0x9f: {  	v5 =	vadd.f32 v6, v5;
	v6 =	vmul.f32 v7, v4;
	_ =	sdelay $0x1  }
0xa0: {  	v7 =	vmul.f32 v63, v3;
	v5 =	vadd.f32 v6, v5  }
0xa1: {  	s11 =	simm.s32 $0x1;
	s28 =	simm.s32 $0xC490;
	s25 =	sor.u32 $0x20, s26  }
0xa2: {  	s31 =	sand.u32 $0xF, s11;
	s0 =	simm.s32 $0x4;
	s1 =	simm.s32 $0x2;
	v5 =	vadd.f32 v7, v5  }
.LBB2_3:
0xa3: {  	s11 =	smov.u32 s1  }
0xa4: {  	s7 =	sand.u32 $0xF, s1;
	s8 =	sand.u32 $0x40, s0;
	[tilespmem:s30+$0x0] =	vst v5;
	s11 =	sadd.s32 $0x1, s1  }
0xa5: {  	p1 =	sne.s32 s1, $0x1F;
	s1 =	sor.u32 s31, s8;
	s31 =	smov.u32 s7;
	v5 =	vld [tilespmem:s29+$0x6440]  }
0xa6: {  	v6 =	vmov s1;
	s1 =	smul.u32 $0x180, s1;
	v7 =	vld [tilespmem:s29+$0x6A40]  }
0xa7: {  	v8 =	vor.u32 $0x10, v6;
	v9 =	vor.u32 $0x20, v6;
	v10 =	vld [tilespmem:s29+$0x7040]  }
0xa8: {  	v11 =	vld [tilespmem:s29+$0x7640];
	_ =	sdelay $0x1  }
0xa9: {  	s1 =	sshrl.u32 s1, $0x2;
	v5 =	vmul.f32 v5, v1  }
0xaa: {  	v7 =	vmul.f32 v7, v2  }
0xab: {  	v10 =	vmul.f32 v10, v4  }
0xac: {  	v5 =	vadd.f32 v7, v5;
	v7 =	vmul.f32 v11, v3;
	_ =	sdelay $0x1  }
0xad: {  	v5 =	vadd.f32 v10, v5;
	_ =	sdelay $0x1  }
0xae: {  	v5 =	vadd.f32 v7, v5;
	_ =	sdelay $0x1  }
0xaf: {  	[tilespmem:s30+$0x10] =	vst v5  }
0xb0: {  	v5 =	vld [tilespmem:s29+$0x6450]  }
0xb1: {  	v7 =	vld [tilespmem:s29+$0x6A50]  }
0xb2: {  	v10 =	vld [tilespmem:s29+$0x7050]  }
0xb3: {  	v11 =	vld [tilespmem:s29+$0x7650];
	s29 =	smov.u32 s1;
	_ =	sdelay $0x1  }
0xb4: {  	v1 =	vmul.f32 v5, v1  }
0xb5: {  	v2 =	vmul.f32 v7, v2  }
0xb6: {  	v4 =	vmul.f32 v10, v4  }
0xb7: {  	v1 =	vadd.f32 v2, v1;
	v2 =	vmul.f32 v11, v3;
	_ =	sdelay $0x1  }
0xb8: {  	v1 =	vadd.f32 v4, v1;
	_ =	sdelay $0x1  }
0xb9: {  	v1 =	vadd.f32 v2, v1;
	_ =	sdelay $0x1  }
0xba: {  	[tilespmem:s30+$0x20] =	vst v1;
	s30 =	smov.u32 s28  }
0xbb: {  	v1 =	vld.idx.msk [tilespmem:v6+s17+$0x0], $0xffff  }
0xbc: {  	v3 =	vor.u32 $0x30, v6;
	v5 =	vld [tilespmem:s29+$0x6A00]  }
0xbd: {  	v2 =	vld.idx.msk [tilespmem:v8+s17+$0x0], $0xffff  }
0xbe: {  	v6 =	vld [tilespmem:s29+$0x6400]  }
0xbf: {  	v4 =	vld.idx.msk [tilespmem:v9+s17+$0x0], $0xffff  }
0xc0: {  	v7 =	vld [tilespmem:s29+$0x7000]  }
0xc1: {  	v3 =	vld.idx.msk [tilespmem:v3+s17+$0x0], $0xffff  }
0xc2: {  	v8 =	vld [tilespmem:s29+$0x7600]  }
0xc3: {  	v5 =	vmul.f32 v5, v2;
	v6 =	vmul.f32 v6, v1;
	_ =	sdelay $0x1  }
0xc4: {  	v5 =	vadd.f32 v5, v6;
	v6 =	vmul.f32 v7, v4;
	_ =	sdelay $0x1  }
0xc5: {  	v5 =	vadd.f32 v6, v5;
	v6 =	vmul.f32 v8, v3;
	_ =	sdelay $0x1  }
0xc6: {  	v5 =	vadd.f32 v6, v5;
	_ =	sdelay $0x1  }
0xc7: {  	[tilespmem:s28+$0xFFFFFFD0] =	vst v5  }
0xc8: {  	v5 =	vld [tilespmem:s29+$0x6410]  }
0xc9: {  	v6 =	vld [tilespmem:s29+$0x6A10];
	_ =	sdelay $0x1  }
0xca: {  	v7 =	vld [tilespmem:s29+$0x7010];
	_ =	sdelay $0x1  }
0xcb: {  	v8 =	vld [tilespmem:s29+$0x7610];
	v5 =	vmul.f32 v5, v1  }
0xcc: {  	v6 =	vmul.f32 v6, v2;
	_ =	sdelay $0x1  }
0xcd: {  	v5 =	vadd.f32 v6, v5;
	v6 =	vmul.f32 v7, v4;
	_ =	sdelay $0x1  }
0xce: {  	v5 =	vadd.f32 v6, v5;
	v6 =	vmul.f32 v8, v3;
	_ =	sdelay $0x1  }
0xcf: {  	v5 =	vadd.f32 v6, v5;
	_ =	sdelay $0x1  }
0xd0: {  	[tilespmem:s28+$0xFFFFFFE0] =	vst v5  }
0xd1: {  	v5 =	vld [tilespmem:s29+$0x6420]  }
0xd2: {  	v6 =	vld [tilespmem:s29+$0x6A20];
	_ =	sdelay $0x1  }
0xd3: {  	v7 =	vld [tilespmem:s29+$0x7020];
	_ =	sdelay $0x1  }
0xd4: {  	v8 =	vld [tilespmem:s29+$0x7620];
	v5 =	vmul.f32 v5, v1  }
0xd5: {  	v6 =	vmul.f32 v6, v2;
	_ =	sdelay $0x1  }
0xd6: {  	v5 =	vadd.f32 v6, v5;
	v6 =	vmul.f32 v7, v4;
	_ =	sdelay $0x1  }
0xd7: {  	v5 =	vadd.f32 v6, v5;
	v6 =	vmul.f32 v8, v3;
	_ =	sdelay $0x1  }
0xd8: {  	v5 =	vadd.f32 v6, v5;
	_ =	sdelay $0x1  }
0xd9: {  	[tilespmem:s28+$0xFFFFFFF0] =	vst v5  }
0xda: {  	v5 =	vld [tilespmem:s29+$0x6430]  }
0xdb: {  	v6 =	vld [tilespmem:s29+$0x6A30]  }
0xdc: {  	v7 =	vld [tilespmem:s29+$0x7630]  }
0xdd: {  	v8 =	vld [tilespmem:s29+$0x7030];
	_ =	sdelay $0x1  }
0xde: {  	v5 =	vmul.f32 v5, v1  }
0xdf: {  	v6 =	vmul.f32 v6, v2  }
0xe0: {  	v7 =	vmul.f32 v7, v3  }
0xe1: {  	v5 =	vadd.f32 v6, v5;
	v6 =	vmul.f32 v8, v4  }
.Ltmp0:
0xe2: {  	(pc) =	sbr.rel @p1 .LBB2_3-.Ltmp0, $3  }
0xe3: {  	v5 =	vadd.f32 v6, v5;
	_ =	sdelay $0x1  }
0xe4: {  	v5 =	vadd.f32 v7, v5  }
0xe5: {  	s0 =	sadd.s32 $0x4, s0;
	s1 =	smov.u32 s11;
	s28 =	sadd.s32 $0x60, s28  }
0xe6: {  	[tilespmem:s30+$0x0] =	vst v5  }
0xe7: {  	v5 =	vld [tilespmem:s29+$0x6440]  }
0xe8: {  	v6 =	vld [tilespmem:s29+$0x6A40];
	_ =	sdelay $0x1  }
0xe9: {  	v7 =	vld [tilespmem:s29+$0x7040];
	_ =	sdelay $0x1  }
0xea: {  	v8 =	vld [tilespmem:s29+$0x7640]  }
0xeb: {  	v5 =	vmul.f32 v5, v1;
	v6 =	vmul.f32 v6, v2;
	_ =	sdelay $0x1  }
0xec: {  	v7 =	vmul.f32 v7, v4;
	v5 =	vadd.f32 v6, v5;
	_ =	sdelay $0x1  }
0xed: {  	v30 =	vmul.f32 v8, v3;
	v5 =	vadd.f32 v7, v5;
	_ =	sdelay $0x1  }
0xee: {  	v5 =	vadd.f32 v30, v5;
	_ =	sdelay $0x1  }
0xef: {  	[tilespmem:s30+$0x10] =	vst v5  }
0xf0: {  	v5 =	vld [tilespmem:s29+$0x6450]  }
0xf1: {  	v31 =	vld [tilespmem:s29+$0x6A50];
	_ =	sdelay $0x1  }
0xf2: {  	v32 =	vld [tilespmem:s29+$0x7050];
	_ =	sdelay $0x1  }
0xf3: {  	v33 =	vld [tilespmem:s29+$0x7650]  }
0xf4: {  	v1 =	vmul.f32 v5, v1;
	v2 =	vmul.f32 v31, v2;
	_ =	sdelay $0x1  }
0xf5: {  	s0 =	sand.u32 $0x40, s0;
	v34 =	vmul.f32 v32, v4;
	v1 =	vadd.f32 v2, v1  }
0xf6: {  	s0 =	sor.u32 s31, s0  }
0xf7: {  	v3 =	vmul.f32 v33, v3;
	v2 =	vmov s0;
	v1 =	vadd.f32 v34, v1;
	_ =	sdelay $0x1  }
0xf8: {  	v35 =	vor.u32 $0x10, v2;
	v1 =	vadd.f32 v3, v1  }
0xf9: {  	s0 =	smul.u32 $0x180, s0  }
0xfa: {  	[tilespmem:s30+$0x20] =	vst v1  }
0xfb: {  	s0 =	sshrl.u32 s0, $0x2;
	v3 =	vor.u32 $0x20, v2;
	v1 =	vld.idx.msk [tilespmem:v2+s17+$0x0], $0xffff  }
0xfc: {  	v36 =	vld [tilespmem:s0+$0x6A00]  }
0xfd: {  	v2 =	vor.u32 $0x30, v2;
	v4 =	vld.idx.msk [tilespmem:v35+s17+$0x0], $0xffff  }
0xfe: {  	v37 =	vld [tilespmem:s0+$0x6400]  }
0xff: {  	v38 =	vld [tilespmem:s0+$0x7000]  }
0x100: {  	v3 =	vld.idx.msk [tilespmem:v3+s17+$0x0], $0xffff  }
0x101: {  	v39 =	vld [tilespmem:s0+$0x7600]  }
0x102: {  	v2 =	vld.idx.msk [tilespmem:v2+s17+$0x0], $0xffff  }
0x103: {  	v6 =	vmul.f32 v37, v1;
	v5 =	vmul.f32 v36, v4;
	_ =	sdelay $0x1  }
0x104: {  	v5 =	vadd.f32 v5, v6;
	v40 =	vmul.f32 v38, v3;
	_ =	sdelay $0x1  }
0x105: {  	v5 =	vadd.f32 v40, v5;
	v41 =	vmul.f32 v39, v2;
	_ =	sdelay $0x1  }
0x106: {  	v5 =	vadd.f32 v41, v5;
	_ =	sdelay $0x1  }
0x107: {  	[tilespmem:s28+$0xFFFFFFD0] =	vst v5  }
0x108: {  	v5 =	vld [tilespmem:s0+$0x6410]  }
0x109: {  	v42 =	vld [tilespmem:s0+$0x6A10];
	_ =	sdelay $0x1  }
0x10a: {  	v43 =	vld [tilespmem:s0+$0x7010];
	_ =	sdelay $0x1  }
0x10b: {  	v44 =	vld [tilespmem:s0+$0x7610]  }
0x10c: {  	v5 =	vmul.f32 v5, v1;
	v6 =	vmul.f32 v42, v4;
	_ =	sdelay $0x1  }
0x10d: {  	v45 =	vmul.f32 v43, v3;
	v5 =	vadd.f32 v6, v5;
	_ =	sdelay $0x1  }
0x10e: {  	v46 =	vmul.f32 v44, v2;
	v5 =	vadd.f32 v45, v5;
	_ =	sdelay $0x1  }
0x10f: {  	v5 =	vadd.f32 v46, v5;
	_ =	sdelay $0x1  }
0x110: {  	[tilespmem:s28+$0xFFFFFFE0] =	vst v5  }
0x111: {  	v5 =	vld [tilespmem:s0+$0x6420]  }
0x112: {  	v47 =	vld [tilespmem:s0+$0x6A20];
	_ =	sdelay $0x1  }
0x113: {  	v48 =	vld [tilespmem:s0+$0x7020];
	_ =	sdelay $0x1  }
0x114: {  	v49 =	vld [tilespmem:s0+$0x7620]  }
0x115: {  	v5 =	vmul.f32 v5, v1;
	v6 =	vmul.f32 v47, v4;
	_ =	sdelay $0x1  }
0x116: {  	v50 =	vmul.f32 v48, v3;
	v5 =	vadd.f32 v6, v5;
	_ =	sdelay $0x1  }
0x117: {  	v51 =	vmul.f32 v49, v2;
	v5 =	vadd.f32 v50, v5;
	_ =	sdelay $0x1  }
0x118: {  	v5 =	vadd.f32 v51, v5;
	_ =	sdelay $0x1  }
0x119: {  	[tilespmem:s28+$0xFFFFFFF0] =	vst v5  }
0x11a: {  	v5 =	vld [tilespmem:s0+$0x6430]  }
0x11b: {  	v52 =	vld [tilespmem:s0+$0x6A30];
	_ =	sdelay $0x1  }
0x11c: {  	v53 =	vld [tilespmem:s0+$0x7030];
	_ =	sdelay $0x1  }
0x11d: {  	v54 =	vld [tilespmem:s0+$0x7630]  }
0x11e: {  	v5 =	vmul.f32 v5, v1;
	v6 =	vmul.f32 v52, v4;
	_ =	sdelay $0x1  }
0x11f: {  	v55 =	vmul.f32 v53, v3;
	v5 =	vadd.f32 v6, v5;
	_ =	sdelay $0x1  }
0x120: {  	v56 =	vmul.f32 v54, v2;
	v5 =	vadd.f32 v55, v5;
	_ =	sdelay $0x1  }
0x121: {  	v5 =	vadd.f32 v56, v5;
	_ =	sdelay $0x1  }
0x122: {  	[tilespmem:s28+$0x0] =	vst v5  }
0x123: {  	v5 =	vld [tilespmem:s0+$0x6440]  }
0x124: {  	v57 =	vld [tilespmem:s0+$0x6A40];
	_ =	sdelay $0x1  }
0x125: {  	v58 =	vld [tilespmem:s0+$0x7040];
	_ =	sdelay $0x1  }
0x126: {  	v59 =	vld [tilespmem:s0+$0x7640]  }
0x127: {  	v5 =	vmul.f32 v5, v1;
	v6 =	vmul.f32 v57, v4;
	_ =	sdelay $0x1  }
0x128: {  	v7 =	vmul.f32 v58, v3;
	v5 =	vadd.f32 v6, v5;
	_ =	sdelay $0x1  }
0x129: {  	v60 =	vmul.f32 v59, v2;
	v5 =	vadd.f32 v7, v5;
	_ =	sdelay $0x1  }
0x12a: {  	v5 =	vadd.f32 v60, v5;
	_ =	sdelay $0x1  }
0x12b: {  	[tilespmem:s28+$0x10] =	vst v5  }
0x12c: {  	v5 =	vld [tilespmem:s0+$0x6450]  }
0x12d: {  	v61 =	vld [tilespmem:s0+$0x6A50];
	_ =	sdelay $0x1  }
0x12e: {  	v62 =	vld [tilespmem:s0+$0x7050];
	_ =	sdelay $0x1  }
0x12f: {  	v63 =	vld [tilespmem:s0+$0x7650]  }
0x130: {  	v1 =	vmul.f32 v5, v1;
	v4 =	vmul.f32 v61, v4;
	_ =	sdelay $0x1  }
0x131: {  	v3 =	vmul.f32 v62, v3;
	v1 =	vadd.f32 v4, v1;
	_ =	sdelay $0x1  }
0x132: {  	p1 =	sne.s32 s24, $0xC3;
	v2 =	vmul.f32 v63, v2;
	v1 =	vadd.f32 v3, v1  }
.Ltmp1:
0x133: {  	s31 =	sadd.s32 s4, s26;
	(pc) =	sbr.rel @p1 .LBB2_6-.Ltmp1, $3  }
0x134: {  	s0 =	smul.u32 $0xC, s31;
	v1 =	vadd.f32 v2, v1;
	_ =	sdelay $0x1  }
0x135: {  	s0 =	sadd.s32 s5, s0;
	[tilespmem:s28+$0x20] =	vst v1  }
0x136: {  	[hbm4b:s0+s3] =	stream.linear.scatter [tilespmem:s18], [sflag:$0x3], $0xC00, $0x38;
	[tilespmem:$0xDC00] =	vst v63  }
.Ltmp2:
0x137: {  	(pc) =	sbr.rel .LBB2_7-.Ltmp2, $4  }
0x138: {  	_ = 	snop  }
0x139: {  	_ =	swait.ge [sflag:s19], $0x3000  }
0x13a: {  	[sflag:s19] =	ssyncset.done $0x0  }
0x13b: {  	[sflag:s19] =	ssyncadd.s32 $0xFFFFD000  }
.LBB2_6:
0x13c: {  	v1 =	vld [tilespmem:s26+$0x40]  }
0x13d: {  	v2 =	vld [tilespmem:s26+$0x3140];
	_ =	sdelay $0x4  }
0x13e: {  	v1 =	vadd.f32 $1.000000000e+00, v1;
	v2 =	vadd.f32 $1.000000000e+00, v2;
	_ =	sdelay $0x1  }
0x13f: {  	v1 =	vmul.f32 $5.000000000e-01, v1;
	v2 =	vmul.f32 $5.000000000e-01, v2;
	_ =	sdelay $0x1  }
0x140: {  	v1 =	vmul.f32 $2.240000000e+02, v1;
	v2 =	vmul.f32 $2.240000000e+02, v2;
	_ =	sdelay $0x1  }
0x141: {  	v3 =	vtrunc.f32 v1;
	v4 =	vtrunc.f32 v2  }
0x142: {  	v3 =	vcvt.f32.s32 v3;
	v4 =	vcvt.f32.s32 v4;
	_ =	sdelay $0x1  }
0x143: {  	vm0 =	vgt.s32 v3, $0x0;
	vm9 =	vgt.s32 v4, $0x0  }
0x144: {  	v6 =	vadd.s32 $0x1, v4;
	v5 =	vnsel vm0, $0x0, v3;
	v3 =	vadd.s32 $0x1, v3  }
0x145: {  	v4 =	vnsel vm9, $0x0, v4;
	vm10 =	vgt.s32 v6, $0x0;
	v5 =	vmin.u32 v5, $0xDF  }
0x146: {  	v6 =	vnsel vm10, $0x0, v6;
	vm11 =	vgt.s32 v3, $0x0;
	v4 =	vmin.u32 v4, $0xDF  }
0x147: {  	v3 =	vnsel vm11, $0x0, v3;
	v6 =	vmin.u32 v6, $0xDF;
	v7 =	vmul.u32 $0xE0, v4  }
0x148: {  	v8 =	vcvt.s32.f32 v5;
	v3 =	vmin.u32 v3, $0xDF;
	v9 =	vmul.u32 $0xE0, v6  }
0x149: {  	v6 =	vcvt.s32.f32 v6;
	v10 =	vcvt.s32.f32 v3;
	v7 =	vadd.s32 v0, v7  }
0x14a: {  	v4 =	vcvt.s32.f32 v4;
	v11 =	vadd.s32 v5, v7;
	v9 =	vadd.s32 v0, v9  }
0x14b: {  	v6 =	vsub.f32 v6, v2;
	v50 =	vadd.s32 v3, v7;
	[tilespmem:$0x6200] =	vst v11;
	v10 =	vsub.f32 v10, v1  }
0x14c: {  	v2 =	vsub.f32 v2, v4;
	v5 =	vadd.s32 v5, v9;
	[tilespmem:$0x6220] =	vst v50  }
0x14d: {  	v3 =	vadd.s32 v3, v9;
	v1 =	vsub.f32 v1, v8;
	[tilespmem:$0x6210] =	vst v5;
	v51 =	vmul.f32 v6, v10  }
0x14e: {  	[tilespmem:$0x6230] =	vst v3;
	v3 =	vmul.f32 v2, v10  }
0x14f: {  	v52 =	vmul.f32 v6, v1;
	[tilespmem:$0x6300] =	vst v51  }
0x150: {  	v1 =	vmul.f32 v2, v1;
	[tilespmem:$0x6310] =	vst v3  }
0x151: {  	[tilespmem:$0x6320] =	vst v52  }
0x152: {  	[tilespmem:$0x6330] =	vst v1  }
0x153: {  	v1 =	vld [tilespmem:s26+$0x50]  }
0x154: {  	v2 =	vld [tilespmem:s26+$0x3150];
	_ =	sdelay $0x4  }
0x155: {  	v1 =	vadd.f32 $1.000000000e+00, v1;
	v2 =	vadd.f32 $1.000000000e+00, v2;
	_ =	sdelay $0x1  }
0x156: {  	v1 =	vmul.f32 $5.000000000e-01, v1;
	v2 =	vmul.f32 $5.000000000e-01, v2;
	_ =	sdelay $0x1  }
0x157: {  	v1 =	vmul.f32 $2.240000000e+02, v1;
	v2 =	vmul.f32 $2.240000000e+02, v2;
	_ =	sdelay $0x1  }
0x158: {  	v3 =	vtrunc.f32 v1;
	v53 =	vtrunc.f32 v2  }
0x159: {  	v3 =	vcvt.f32.s32 v3;
	v4 =	vcvt.f32.s32 v53;
	_ =	sdelay $0x1  }
0x15a: {  	vm12 =	vgt.s32 v3, $0x0;
	vm13 =	vgt.s32 v4, $0x0  }
0x15b: {  	v55 =	vadd.s32 $0x1, v4;
	v54 =	vnsel vm12, $0x0, v3;
	v3 =	vadd.s32 $0x1, v3  }
0x15c: {  	v4 =	vnsel vm13, $0x0, v4;
	vm14 =	vgt.s32 v55, $0x0;
	v5 =	vmin.u32 v54, $0xDF  }
0x15d: {  	v6 =	vnsel vm14, $0x0, v55;
	vm15 =	vgt.s32 v3, $0x0;
	v4 =	vmin.u32 v4, $0xDF  }
0x15e: {  	v3 =	vnsel vm15, $0x0, v3;
	v6 =	vmin.u32 v6, $0xDF;
	v56 =	vmul.u32 $0xE0, v4  }
0x15f: {  	v57 =	vcvt.s32.f32 v5;
	v3 =	vmin.u32 v3, $0xDF;
	v58 =	vmul.u32 $0xE0, v6  }
0x160: {  	v6 =	vcvt.s32.f32 v6;
	v59 =	vcvt.s32.f32 v3;
	v7 =	vadd.s32 v0, v56  }
0x161: {  	v4 =	vcvt.s32.f32 v4;
	v60 =	vadd.s32 v5, v7;
	v9 =	vadd.s32 v0, v58  }
0x162: {  	v6 =	vsub.f32 v6, v2;
	v61 =	vadd.s32 v3, v7;
	[tilespmem:$0x6240] =	vst v60;
	v10 =	vsub.f32 v59, v1  }
0x163: {  	v2 =	vsub.f32 v2, v4;
	v5 =	vadd.s32 v5, v9;
	[tilespmem:$0x6260] =	vst v61  }
0x164: {  	v3 =	vadd.s32 v3, v9;
	v1 =	vsub.f32 v1, v57;
	[tilespmem:$0x6250] =	vst v5;
	v62 =	vmul.f32 v6, v10  }
0x165: {  	[tilespmem:$0x6270] =	vst v3;
	v3 =	vmul.f32 v2, v10  }
0x166: {  	v63 =	vmul.f32 v6, v1;
	[tilespmem:$0x6340] =	vst v62  }
0x167: {  	v1 =	vmul.f32 v2, v1;
	[tilespmem:$0x6350] =	vst v3  }
0x168: {  	[tilespmem:$0x6360] =	vst v63  }
.Ltmp3:
0x169: {  	[tilespmem:$0x6370] =	vst v1;
	(pc) =	sbr.rel @p0 .LBB2_8-.Ltmp3, $4  }
0x16a: {  	[tilespmem:s14], [sflag:$0x1] =	stream.indirect.gather [hbm4b:s2+s12], $0x60, s13, s12, $0xb8;
	[tilespmem:$0xDC00] =	vst v63  }
0x16b: {  	_ =	swait.ge [sflag:s19], $0x3000  }
0x16c: {  	[sflag:s19] =	ssyncset.done $0x0  }
0x16d: {  	[sflag:s19] =	ssyncadd.s32 $0xFFFFD000  }
.LBB2_7:
0x16e: {  	_ =	swait.ge [sflag:s20], $0xC00  }
0x16f: {  	[sflag:s20] =	ssyncset.done $0x0  }
0x170: {  	[sflag:s20] =	ssyncadd.s32 $0xFFFFF400  }
.LBB2_8:
0x171: {  	s0 =	simm.s32 $0x0  }
0x172: {  	s1 =	sand.u32 $0xF, s0;
	s0 =	sand.u32 $0x40, s0  }
0x173: {  	s0 =	sor.u32 s1, s0  }
0x174: {  	v2 =	vmov s0  }
0x175: {  	s0 =	smul.u32 $0x180, s0;
	v1 =	vor.u32 $0x90, v2  }
0x176: {  	v3 =	vor.u32 $0x80, v2  }
0x177: {  	s28 =	sshrl.u32 s0, $0x2  }
0x178: {  	v4 =	vor.u32 $0xA0, v2;
	v6 =	vld [tilespmem:s28+$0x9A00]  }
0x179: {  	v5 =	vor.u32 $0xB0, v2;
	v7 =	vld [tilespmem:s28+$0x9400]  }
0x17a: {  	v1 =	vld.idx.msk [tilespmem:v1+s17+$0x0], $0xffff  }
0x17b: {  	v3 =	vld.idx.msk [tilespmem:v3+s17+$0x0], $0xffff  }
0x17c: {  	v8 =	vld [tilespmem:s28+$0xA000]  }
0x17d: {  	v2 =	vld.idx.msk [tilespmem:v4+s17+$0x0], $0xffff  }
0x17e: {  	v4 =	vld.idx.msk [tilespmem:v5+s17+$0x0], $0xffff  }
0x17f: {  	v5 =	vld [tilespmem:s28+$0xA600]  }
0x180: {  	v6 =	vmul.f32 v6, v1;
	v7 =	vmul.f32 v7, v3;
	_ =	sdelay $0x1  }
0x181: {  	v6 =	vadd.f32 v6, v7;
	v7 =	vmul.f32 v8, v2;
	_ =	sdelay $0x1  }
0x182: {  	v5 =	vmul.f32 v5, v4;
	v6 =	vadd.f32 v7, v6;
	_ =	sdelay $0x1  }
0x183: {  	v5 =	vadd.f32 v5, v6  }
0x184: {  	s29 =	simm.s32 $0xD050  }
0x185: {  	[tilespmem:s29+$0xFFFFFFB0] =	vst v5  }
0x186: {  	v5 =	vld [tilespmem:s28+$0x9410]  }
0x187: {  	v6 =	vld [tilespmem:s28+$0x9A10];
	_ =	sdelay $0x1  }
0x188: {  	v7 =	vld [tilespmem:s28+$0xA010];
	_ =	sdelay $0x1  }
0x189: {  	v8 =	vld [tilespmem:s28+$0xA610]  }
0x18a: {  	v5 =	vmul.f32 v5, v3;
	v6 =	vmul.f32 v6, v1;
	_ =	sdelay $0x1  }
0x18b: {  	v5 =	vadd.f32 v6, v5;
	v6 =	vmul.f32 v7, v2;
	_ =	sdelay $0x1  }
0x18c: {  	v5 =	vadd.f32 v6, v5;
	v6 =	vmul.f32 v8, v4;
	_ =	sdelay $0x1  }
0x18d: {  	v5 =	vadd.f32 v6, v5;
	_ =	sdelay $0x1  }
0x18e: {  	[tilespmem:s29+$0xFFFFFFC0] =	vst v5  }
0x18f: {  	v5 =	vld [tilespmem:s28+$0x9420]  }
0x190: {  	v6 =	vld [tilespmem:s28+$0x9A20];
	_ =	sdelay $0x1  }
0x191: {  	v7 =	vld [tilespmem:s28+$0xA020];
	_ =	sdelay $0x1  }
0x192: {  	v8 =	vld [tilespmem:s28+$0xA620]  }
0x193: {  	v5 =	vmul.f32 v5, v3;
	v6 =	vmul.f32 v6, v1;
	_ =	sdelay $0x1  }
0x194: {  	v5 =	vadd.f32 v6, v5;
	v6 =	vmul.f32 v7, v2;
	_ =	sdelay $0x1  }
0x195: {  	v5 =	vadd.f32 v6, v5;
	v6 =	vmul.f32 v8, v4;
	_ =	sdelay $0x1  }
0x196: {  	v5 =	vadd.f32 v6, v5;
	_ =	sdelay $0x1  }
0x197: {  	[tilespmem:s29+$0xFFFFFFD0] =	vst v5  }
0x198: {  	v8 =	vld [tilespmem:s28+$0x9430]  }
0x199: {  	v7 =	vld [tilespmem:s28+$0x9A30]  }
0x19a: {  	s26 =	simm.s32 $0x1;
	s31 =	simm.s32 $0x4;
	v6 =	vld [tilespmem:s28+$0xA030]  }
0x19b: {  	s30 =	sand.u32 $0xF, s26;
	s26 =	simm.s32 $0xD0B0;
	s1 =	simm.s32 $0x2;
	v5 =	vld [tilespmem:s28+$0xA630]  }
.LBB2_9:
0x19c: {  	s0 =	smov.u32 s1  }
0x19d: {  	s7 =	sand.u32 $0xF, s1;
	s8 =	sand.u32 $0x40, s31;
	s0 =	sadd.s32 $0x1, s1  }
0x19e: {  	p0 =	sne.s32 s1, $0x1F;
	s1 =	sor.u32 s30, s8;
	v8 =	vmul.f32 v8, v3;
	s30 =	smov.u32 s7  }
0x19f: {  	v9 =	vmov s1;
	s1 =	smul.u32 $0x180, s1;
	v7 =	vmul.f32 v7, v1  }
0x1a0: {  	v10 =	vor.u32 $0x80, v9;
	v11 =	vor.u32 $0x90, v9;
	v6 =	vmul.f32 v6, v2  }
0x1a1: {  	v7 =	vadd.f32 v7, v8;
	v5 =	vmul.f32 v5, v4;
	_ =	sdelay $0x1  }
0x1a2: {  	v6 =	vadd.f32 v6, v7;
	_ =	sdelay $0x1  }
0x1a3: {  	s1 =	sshrl.u32 s1, $0x2;
	v7 =	vor.u32 $0xA0, v9;
	v5 =	vadd.f32 v5, v6;
	_ =	sdelay $0x1  }
0x1a4: {  	[tilespmem:s29+$0xFFFFFFE0] =	vst v5  }
0x1a5: {  	v5 =	vld [tilespmem:s28+$0x9440]  }
0x1a6: {  	v6 =	vld [tilespmem:s28+$0x9A40]  }
0x1a7: {  	v8 =	vld [tilespmem:s28+$0xA040]  }
0x1a8: {  	v12 =	vld [tilespmem:s28+$0xA640];
	_ =	sdelay $0x1  }
0x1a9: {  	v5 =	vmul.f32 v5, v3  }
0x1aa: {  	v6 =	vmul.f32 v6, v1  }
0x1ab: {  	v8 =	vmul.f32 v8, v2  }
0x1ac: {  	v5 =	vadd.f32 v6, v5;
	v6 =	vmul.f32 v12, v4;
	_ =	sdelay $0x1  }
0x1ad: {  	v5 =	vadd.f32 v8, v5;
	_ =	sdelay $0x1  }
0x1ae: {  	v5 =	vadd.f32 v6, v5;
	_ =	sdelay $0x1  }
0x1af: {  	[tilespmem:s29+$0xFFFFFFF0] =	vst v5  }
0x1b0: {  	v5 =	vld [tilespmem:s28+$0x9450]  }
0x1b1: {  	v6 =	vld [tilespmem:s28+$0x9A50]  }
0x1b2: {  	v8 =	vld [tilespmem:s28+$0xA650]  }
0x1b3: {  	v12 =	vld [tilespmem:s28+$0xA050];
	s28 =	smov.u32 s1;
	_ =	sdelay $0x1  }
0x1b4: {  	v3 =	vmul.f32 v5, v3  }
0x1b5: {  	v1 =	vmul.f32 v6, v1  }
0x1b6: {  	v4 =	vmul.f32 v8, v4  }
0x1b7: {  	v1 =	vadd.f32 v1, v3;
	v2 =	vmul.f32 v12, v2;
	_ =	sdelay $0x1  }
0x1b8: {  	v1 =	vadd.f32 v2, v1;
	_ =	sdelay $0x1  }
0x1b9: {  	v1 =	vadd.f32 v4, v1;
	_ =	sdelay $0x1  }
0x1ba: {  	[tilespmem:s29+$0x0] =	vst v1;
	s29 =	smov.u32 s26  }
0x1bb: {  	v1 =	vld.idx.msk [tilespmem:v11+s17+$0x0], $0xffff  }
0x1bc: {  	v4 =	vor.u32 $0xB0, v9;
	v5 =	vld [tilespmem:s28+$0x9A00]  }
0x1bd: {  	v3 =	vld.idx.msk [tilespmem:v10+s17+$0x0], $0xffff  }
0x1be: {  	v6 =	vld [tilespmem:s28+$0x9400]  }
0x1bf: {  	v2 =	vld.idx.msk [tilespmem:v7+s17+$0x0], $0xffff  }
0x1c0: {  	v7 =	vld [tilespmem:s28+$0xA000]  }
0x1c1: {  	v4 =	vld.idx.msk [tilespmem:v4+s17+$0x0], $0xffff  }
0x1c2: {  	v5 =	vmul.f32 v5, v1;
	v8 =	vld [tilespmem:s28+$0xA600]  }
0x1c3: {  	v6 =	vmul.f32 v6, v3;
	_ =	sdelay $0x1  }
0x1c4: {  	v5 =	vadd.f32 v5, v6;
	v6 =	vmul.f32 v7, v2;
	_ =	sdelay $0x1  }
0x1c5: {  	v5 =	vadd.f32 v6, v5;
	v6 =	vmul.f32 v8, v4;
	_ =	sdelay $0x1  }
0x1c6: {  	v5 =	vadd.f32 v6, v5;
	_ =	sdelay $0x1  }
0x1c7: {  	[tilespmem:s26+$0xFFFFFFB0] =	vst v5  }
0x1c8: {  	v5 =	vld [tilespmem:s28+$0x9410]  }
0x1c9: {  	v6 =	vld [tilespmem:s28+$0x9A10];
	_ =	sdelay $0x1  }
0x1ca: {  	v7 =	vld [tilespmem:s28+$0xA010];
	_ =	sdelay $0x1  }
0x1cb: {  	v8 =	vld [tilespmem:s28+$0xA610];
	v5 =	vmul.f32 v5, v3  }
0x1cc: {  	v6 =	vmul.f32 v6, v1;
	_ =	sdelay $0x1  }
0x1cd: {  	v5 =	vadd.f32 v6, v5;
	v6 =	vmul.f32 v7, v2;
	_ =	sdelay $0x1  }
0x1ce: {  	v5 =	vadd.f32 v6, v5;
	v6 =	vmul.f32 v8, v4;
	_ =	sdelay $0x1  }
0x1cf: {  	v5 =	vadd.f32 v6, v5;
	_ =	sdelay $0x1  }
0x1d0: {  	[tilespmem:s26+$0xFFFFFFC0] =	vst v5  }
0x1d1: {  	v5 =	vld [tilespmem:s28+$0x9420]  }
0x1d2: {  	v6 =	vld [tilespmem:s28+$0x9A20];
	_ =	sdelay $0x1  }
0x1d3: {  	v7 =	vld [tilespmem:s28+$0xA020];
	_ =	sdelay $0x1  }
0x1d4: {  	v8 =	vld [tilespmem:s28+$0xA620];
	v5 =	vmul.f32 v5, v3  }
0x1d5: {  	v6 =	vmul.f32 v6, v1;
	_ =	sdelay $0x1  }
0x1d6: {  	v5 =	vadd.f32 v6, v5;
	v6 =	vmul.f32 v7, v2;
	_ =	sdelay $0x1  }
0x1d7: {  	v5 =	vadd.f32 v6, v5;
	v6 =	vmul.f32 v8, v4;
	_ =	sdelay $0x1  }
0x1d8: {  	v5 =	vadd.f32 v6, v5;
	_ =	sdelay $0x1  }
.Ltmp4:
0x1d9: {  	[tilespmem:s26+$0xFFFFFFD0] =	vst v5;
	(pc) =	sbr.rel @p0 .LBB2_9-.Ltmp4, $4  }
0x1da: {  	v8 =	vld [tilespmem:s28+$0x9430]  }
0x1db: {  	v7 =	vld [tilespmem:s28+$0x9A30]  }
0x1dc: {  	v6 =	vld [tilespmem:s28+$0xA030]  }
0x1dd: {  	s31 =	sadd.s32 $0x4, s31;
	s1 =	smov.u32 s0;
	s26 =	sadd.s32 $0x60, s26;
	v5 =	vld [tilespmem:s28+$0xA630]  }
0x1de: {  	_ =	sdelay $0x1  }
0x1df: {  	v8 =	vmul.f32 v8, v3;
	v7 =	vmul.f32 v7, v1;
	_ =	sdelay $0x1  }
0x1e0: {  	v6 =	vmul.f32 v6, v2;
	v7 =	vadd.f32 v7, v8;
	_ =	sdelay $0x1  }
0x1e1: {  	v5 =	vmul.f32 v5, v4;
	v6 =	vadd.f32 v6, v7;
	_ =	sdelay $0x1  }
0x1e2: {  	v5 =	vadd.f32 v5, v6;
	_ =	sdelay $0x1  }
0x1e3: {  	[tilespmem:s29+$0xFFFFFFE0] =	vst v5  }
0x1e4: {  	v5 =	vld [tilespmem:s28+$0x9440]  }
0x1e5: {  	v27 =	vld [tilespmem:s28+$0x9A40];
	_ =	sdelay $0x1  }
0x1e6: {  	v28 =	vld [tilespmem:s28+$0xA040];
	_ =	sdelay $0x1  }
0x1e7: {  	v29 =	vld [tilespmem:s28+$0xA640]  }
0x1e8: {  	v5 =	vmul.f32 v5, v3;
	v6 =	vmul.f32 v27, v1;
	_ =	sdelay $0x1  }
0x1e9: {  	v7 =	vmul.f32 v28, v2;
	v5 =	vadd.f32 v6, v5;
	_ =	sdelay $0x1  }
0x1ea: {  	v30 =	vmul.f32 v29, v4;
	v5 =	vadd.f32 v7, v5;
	_ =	sdelay $0x1  }
0x1eb: {  	v5 =	vadd.f32 v30, v5;
	_ =	sdelay $0x1  }
0x1ec: {  	[tilespmem:s29+$0xFFFFFFF0] =	vst v5  }
0x1ed: {  	v5 =	vld [tilespmem:s28+$0x9450]  }
0x1ee: {  	v31 =	vld [tilespmem:s28+$0x9A50];
	_ =	sdelay $0x1  }
0x1ef: {  	v32 =	vld [tilespmem:s28+$0xA050];
	_ =	sdelay $0x1  }
0x1f0: {  	v33 =	vld [tilespmem:s28+$0xA650]  }
0x1f1: {  	v3 =	vmul.f32 v5, v3;
	v1 =	vmul.f32 v31, v1  }
0x1f2: {  	s0 =	sand.u32 $0x40, s31  }
0x1f3: {  	s0 =	sor.u32 s30, s0;
	v2 =	vmul.f32 v32, v2;
	v1 =	vadd.f32 v1, v3  }
0x1f4: {  	v3 =	vmov s0  }
0x1f5: {  	v35 =	vmul.f32 v33, v4;
	v34 =	vor.u32 $0x90, v3;
	v1 =	vadd.f32 v2, v1;
	_ =	sdelay $0x1  }
0x1f6: {  	v2 =	vor.u32 $0x80, v3;
	v1 =	vadd.f32 v35, v1  }
0x1f7: {  	s0 =	smul.u32 $0x180, s0  }
0x1f8: {  	v36 =	vor.u32 $0xA0, v3;
	[tilespmem:s29+$0x0] =	vst v1  }
0x1f9: {  	s0 =	sshrl.u32 s0, $0x2;
	v1 =	vld.idx.msk [tilespmem:v34+s17+$0x0], $0xffff  }
0x1fa: {  	v3 =	vor.u32 $0xB0, v3;
	v37 =	vld [tilespmem:s0+$0x9A00]  }
0x1fb: {  	v2 =	vld.idx.msk [tilespmem:v2+s17+$0x0], $0xffff  }
0x1fc: {  	v38 =	vld [tilespmem:s0+$0x9400]  }
0x1fd: {  	v4 =	vld.idx.msk [tilespmem:v36+s17+$0x0], $0xffff  }
0x1fe: {  	v39 =	vld [tilespmem:s0+$0xA000]  }
0x1ff: {  	v3 =	vld.idx.msk [tilespmem:v3+s17+$0x0], $0xffff  }
0x200: {  	v40 =	vld [tilespmem:s0+$0xA600]  }
0x201: {  	v5 =	vmul.f32 v37, v1;
	v6 =	vmul.f32 v38, v2;
	_ =	sdelay $0x1  }
0x202: {  	v41 =	vmul.f32 v39, v4;
	v5 =	vadd.f32 v5, v6;
	_ =	sdelay $0x1  }
0x203: {  	v42 =	vmul.f32 v40, v3;
	v5 =	vadd.f32 v41, v5;
	_ =	sdelay $0x1  }
0x204: {  	v5 =	vadd.f32 v42, v5;
	_ =	sdelay $0x1  }
0x205: {  	[tilespmem:s26+$0xFFFFFFB0] =	vst v5  }
0x206: {  	v5 =	vld [tilespmem:s0+$0x9410]  }
0x207: {  	v43 =	vld [tilespmem:s0+$0x9A10];
	_ =	sdelay $0x1  }
0x208: {  	v44 =	vld [tilespmem:s0+$0xA010];
	_ =	sdelay $0x1  }
0x209: {  	v45 =	vld [tilespmem:s0+$0xA610]  }
0x20a: {  	v5 =	vmul.f32 v5, v2;
	v6 =	vmul.f32 v43, v1;
	_ =	sdelay $0x1  }
0x20b: {  	v46 =	vmul.f32 v44, v4;
	v5 =	vadd.f32 v6, v5;
	_ =	sdelay $0x1  }
0x20c: {  	v47 =	vmul.f32 v45, v3;
	v5 =	vadd.f32 v46, v5;
	_ =	sdelay $0x1  }
0x20d: {  	v5 =	vadd.f32 v47, v5;
	_ =	sdelay $0x1  }
0x20e: {  	[tilespmem:s26+$0xFFFFFFC0] =	vst v5  }
0x20f: {  	v5 =	vld [tilespmem:s0+$0x9420]  }
0x210: {  	v48 =	vld [tilespmem:s0+$0x9A20];
	_ =	sdelay $0x1  }
0x211: {  	v49 =	vld [tilespmem:s0+$0xA020];
	_ =	sdelay $0x1  }
0x212: {  	v50 =	vld [tilespmem:s0+$0xA620]  }
0x213: {  	v5 =	vmul.f32 v5, v2;
	v6 =	vmul.f32 v48, v1;
	_ =	sdelay $0x1  }
0x214: {  	v51 =	vmul.f32 v49, v4;
	v5 =	vadd.f32 v6, v5;
	_ =	sdelay $0x1  }
0x215: {  	v52 =	vmul.f32 v50, v3;
	v5 =	vadd.f32 v51, v5;
	_ =	sdelay $0x1  }
0x216: {  	v5 =	vadd.f32 v52, v5;
	_ =	sdelay $0x1  }
0x217: {  	[tilespmem:s26+$0xFFFFFFD0] =	vst v5  }
0x218: {  	v5 =	vld [tilespmem:s0+$0x9430]  }
0x219: {  	v53 =	vld [tilespmem:s0+$0x9A30];
	_ =	sdelay $0x1  }
0x21a: {  	v54 =	vld [tilespmem:s0+$0xA030];
	_ =	sdelay $0x1  }
0x21b: {  	v55 =	vld [tilespmem:s0+$0xA630]  }
0x21c: {  	v5 =	vmul.f32 v5, v2;
	v6 =	vmul.f32 v53, v1;
	_ =	sdelay $0x1  }
0x21d: {  	v7 =	vmul.f32 v54, v4;
	v5 =	vadd.f32 v6, v5;
	_ =	sdelay $0x1  }
0x21e: {  	v56 =	vmul.f32 v55, v3;
	v5 =	vadd.f32 v7, v5;
	_ =	sdelay $0x1  }
0x21f: {  	v5 =	vadd.f32 v56, v5;
	_ =	sdelay $0x1  }
0x220: {  	[tilespmem:s26+$0xFFFFFFE0] =	vst v5  }
0x221: {  	v5 =	vld [tilespmem:s0+$0x9440]  }
0x222: {  	v57 =	vld [tilespmem:s0+$0x9A40];
	_ =	sdelay $0x1  }
0x223: {  	v58 =	vld [tilespmem:s0+$0xA040];
	_ =	sdelay $0x1  }
0x224: {  	v59 =	vld [tilespmem:s0+$0xA640]  }
0x225: {  	v5 =	vmul.f32 v5, v2;
	v6 =	vmul.f32 v57, v1;
	_ =	sdelay $0x1  }
0x226: {  	v7 =	vmul.f32 v58, v4;
	v5 =	vadd.f32 v6, v5;
	_ =	sdelay $0x1  }
0x227: {  	v60 =	vmul.f32 v59, v3;
	v5 =	vadd.f32 v7, v5;
	_ =	sdelay $0x1  }
0x228: {  	v5 =	vadd.f32 v60, v5;
	_ =	sdelay $0x1  }
0x229: {  	[tilespmem:s26+$0xFFFFFFF0] =	vst v5  }
0x22a: {  	v5 =	vld [tilespmem:s0+$0x9450]  }
0x22b: {  	v61 =	vld [tilespmem:s0+$0x9A50];
	_ =	sdelay $0x1  }
0x22c: {  	v62 =	vld [tilespmem:s0+$0xA050];
	_ =	sdelay $0x1  }
0x22d: {  	v63 =	vld [tilespmem:s0+$0xA650]  }
0x22e: {  	v2 =	vmul.f32 v5, v2;
	v1 =	vmul.f32 v61, v1;
	_ =	sdelay $0x1  }
0x22f: {  	v1 =	vadd.f32 v1, v2;
	v2 =	vmul.f32 v62, v4  }
0x230: {  	s24 =	sadd.s32 $0x1, s24  }
0x231: {  	p0 =	sne.s32 s24, $0xC4;
	v3 =	vmul.f32 v63, v3;
	v1 =	vadd.f32 v2, v1  }
.Ltmp5:
0x232: {  	s31 =	sadd.s32 s4, s25;
	(pc) =	sbr.rel @p0 .LBB2_2-.Ltmp5, $3  }
0x233: {  	s0 =	smul.u32 $0xC, s31;
	v1 =	vadd.f32 v3, v1;
	_ =	sdelay $0x1  }
0x234: {  	s0 =	sadd.s32 s5, s0;
	[tilespmem:s26+$0x0] =	vst v1  }
0x235: {  	[hbm4b:s0+s3] =	stream.linear.scatter [tilespmem:s21], [sflag:$0x4], $0xC00, $0x38;
	[tilespmem:$0xDC00] =	vst v63  }
0x236: {  	s23 =	sadd.s32 $0x1, s23  }
0x237: {  	_ =	swait.ge [sflag:s22], $0xC00;
	p0 =	sne.s32 s23, s9  }
.Ltmp6:
0x238: {  	[sflag:s22] =	ssyncset.done $0x0;
	(pc) =	sbr.rel @p0 .LBB2_1-.Ltmp6, $4  }
0x239: {  	[sflag:s22] =	ssyncadd.s32 $0xFFFFF400  }
0x23a: {  	_ =	swait.ge [sflag:s20], $0xC00  }
0x23b: {  	[sflag:s20] =	ssyncset.done $0x0  }
0x23c: {  	[sflag:s20] =	ssyncadd.s32 $0xFFFFF400  }
0x23d: {  	_ =	sfence.sel $0x180000  }
0x23e: {  	[bflag:$0x0] =	sbarrier.arrive $0xFFFF  }
0x23f: {  	_ =	strace $0x90000047  }
0x240: {  	s0 =	stileid.u32;
	[bflag:$0x2] =	sbarrier.arrive $0xFFFF  }
0x241: {  	p0 =	sne.s32 s0, $0x0;
	s0 =	rddreg [dreg:$0x2]  }
0x242: {  	s0 =	sadd.s32 @!p0 $0x100000, s0  }
0x243: {  	[sflag:s0] =	ssyncadd.tile.s32 @!p0 $0x1;
	_ =	shalt  }
.Lfunc_end2:
_tile_overlayer_lowered:
.L_overlay_start_2:
0x244: {  	(tag) =	ssettag $0x2  }
0x245: {  	s0 =	rddreg [dreg:$0x0];
	s2 =	stileid.u32  }
0x246: {  	s1 =	rddreg [dreg:$0x1];
	p0 =	sne.s32 s2, $0x0  }
0x247: {  	s3 =	rddreg [dreg:$0x2];
	[bflag:$0x3] =	sbarrier.arrive $0xFFFF;
	s2 =	simm.s32 @!p0 $0x1C05  }
0x248: {  	[timem:s3], [sflag:s2] =	dma.local @!p0 [hbm:s0], s1  }
0x249: {  	s0 =	simm.s32 @!p0 $0x5  }
0x24a: {  	_ =	swait.ge @!p0 [sflag:s0], s1  }
0x24b: {  	s1 =	ssub.s32 @!p0 $0x0, s1;
	[sflag:s0] =	ssyncset.done @!p0 $0x0  }
0x24c: {  	[sflag:s0] =	ssyncadd.s32 @!p0 s1  }
0x24d: {  	[bflag:$0x3] =	sbarrier.arrive $0xFFFF  }
0x24e: {  	_ =	shalt  }

// kernel: sparse-core-data-format-call.cloned.1.call-start
scs
called_computation_lowered:
.L_overlay_start_0:
0x0: {  	s2 =	sld [smem:$0x3FD9]  }
0x1: {  	s3 =	sld [smem:$0x3FFE];
	_ =	sdelay $0x1  }
0x2: {  	s1 =	srdreg.scid  }
0x3: {  	s0 =	sand.u32 $0x1, s1  }
0x4: {  	s18 =	sshll.u32 s0, $0xA;
	s2 =	sadd.s32 s3, s2  }
0x5: {  	s2 =	sadd.s32 s2, s18  }
0x6: {  	[smem:$0x3FC6] =	sst s2  }
0x7: {  	_ = 	snop  }
0x8: {  	s2 =	sld [smem:$0x3FD0];
	(tm) =	ssettm $0x1  }
0x9: {  	s19 =	sld [smem:$0x3FFB];
	_ =	sdelay $0x3  }
0xa: {  	_ =	strace s19  }
0xb: {  	s3 =	sld [smem:$0x3FFC];
	_ =	sdelay $0x3  }
0xc: {  	_ =	strace s3  }
0xd: {  	s3 =	sld [smem:$0x3FFD];
	_ =	sdelay $0x3  }
0xe: {  	_ =	strace s3  }
0xf: {  	_ =	strace $0x8FFFFFFF  }
0x10: {  	s20 =	sld [smem:$0x3FDB];
	_ =	sdelay $0x1  }
0x11: {  	s4 =	simm.s32 $_scs_section_size  }
0x12: {  	s5 =	simm.s32 $_size__tile_overlayer_lowered;
	s6 =	simm.s32 $_tile_overlayer_lowered  }
0x13: {  	s23 =	simm.s32 $0x1BFF;
	s22 =	sshll.u32 s6, $0x1;
	s3 =	sadd.s32 s4, s20  }
0x14: {  	s7 =	simm.s32 $0x0;
	s21 =	sshll.u32 s5, $0x1;
	s5 =	sadd.s32 s22, s3  }
0x15: {  	[timem:s7], [sflag:s23] =	dma.local [hbm:s5], s21  }
0x16: {  	_ =	swait.ge [sflag:s23], s21  }
0x17: {  	s4 =	ssub.s32 $0x0, s21;
	[sflag:s23] =	ssyncset.done $0x0  }
0x18: {  	[sflag:s23] =	ssyncadd.s32 s4;
	_ =	sdelay $0x1  }
0x19: {  	s24 =	simm.s32 $0x1B8B  }
0x1a: {  	_ =	swait.ge [sflag:s24], $0x1  }
0x1b: {  	[sflag:s24] =	ssyncset.done $0x0  }
0x1c: {  	s26 =	simm.s32 $0x1B8E;
	s25 =	sld [smem:$0x3FFE];
	[sflag:s24] =	ssyncadd.s32 $0xFFFFFFFF  }
0x1d: {  	s27 =	simm.s32 $execute0_lowered;
	[smem:$0x3FD2] =	sst s26  }
0x1e: {  	s5 =	sshll.u32 s27, $0x1;
	_ =	strace $0x80000049;
	[dreg:$0x1] =	wrdreg $0xFFFFFFFF  }
0x1f: {  	s28 =	simm.s32 $_size_execute0_lowered;
	s3 =	sadd.s32 s3, s5;
	[dreg:$0x0] =	wrdreg $0x0  }
0x20: {  	s5 =	sshll.u32 s28, $0x1;
	[dreg:$0x2] =	wrdreg s3  }
0x21: {  	[dreg:$0x3] =	wrdreg s5  }
0x22: {  	[dreg:$0x4] =	wrdreg $0xC0  }
0x23: {  	_ =	task [dreg:s7], $0x5FFFF  }
0x24: {  	[dreg:$0x1] =	wrdreg $0xFFFFFFFF  }
0x25: {  	[dreg:$0x0] =	wrdreg $0x60  }
0x26: {  	[dreg:$0x2] =	wrdreg s25  }
0x27: {  	[dreg:$0x3] =	wrdreg s2  }
0x28: {  	[dreg:$0x4] =	wrdreg $0x9  }
0x29: {  	_ =	task.clear_ibuf [dreg:s7], $0x5FFFF;
	_ =	strace $0x90000049  }
0x2a: {  	s29 =	simm.s32 $0x9;
	_ =	strace $0x8000004B  }
0x2b: {  	_ =	swait.ge [sflag:s29], $0x1  }
0x2c: {  	[sflag:s29] =	ssyncadd.s32 $0xFFFFFFFF  }
0x2d: {  	_ =	strace $0x9000004B  }
0x2e: {  	_ =	sfence  }
0x2f: {  	s30 =	sld [smem:$0x0];
	_ =	sdelay $0x2  }
0x30: {  	s31 =	sshll.u32 s1, $0xD;
	s1 =	sshrl.u32 s1, $0x2  }
0x31: {  	s3 =	sand.u32 $0x4000, s31;
	s1 =	sadd.s32 s1, s30  }
0x32: {  	s0 =	sor.u32 s3, s0;
	s1 =	sshll.u32 s1, $0x11  }
0x33: {  	s0 =	sor.u32 s1, s0  }
0x34: {  	s0 =	sadd.s32 $0x8F2B, s0  }
0x35: {  	[sflag:s0] =	ssyncadd.remote.s32 $0x1  }
0x36: {  	_ =	sfence.sel $0xFFFF  }
0x37: {  	[dreg:$0x0] =	wrdreg $0xFFFFFFFF;
	(pc) =	sbr.abs _section_cstart, $3  }
0x38: {  	[dreg:$0x1] =	wrdreg $0xFFFFFFFF  }
0x39: {  	_ =	task.clear_ibuf [dreg:s7], $0x2FFFF;
	_ =	strace $0x9FFFFFFF  }
0x3a: {  	(tm) =	ssettm $0x7FFFFFFF  }
0x3b: {  	_ =	shalt  }
tec
execute0_lowered:
.L_overlay_start_1:
0x0: {  	(tag) =	ssettag $0x1  }
0x1: {  	s0 =	rddreg [dreg:$0x0]  }
0x2: {  	s1 =	srdreg.scid;
	_ =	strace $0x8000004A;
	s2 =	stileid.u32  }
0x3: {  	s30 =	simm.s32 $0x1;
	s31 =	simm.s32 $0x2;
	s15 =	simm.s32 $0x0  }
0x4: {  	s16 =	simm.s32 $0x0;
	s17 =	simm.s32 $0x0;
	s8 =	simm.s32 $0x0  }
0x5: {  	s10 =	simm.s32 $0x0;
	s12 =	simm.s32 $0x0;
	s11 =	simm.s32 $0x0  }
.Ltmp0:
0x6: {  	s9 =	simm.s32 $0x0;
	s29 =	sshll.u32 s1, $0x4;
	(pc) =	sbr.rel .LBB1_1-.Ltmp0, $4  }
0x7: {  	s6 =	sadd.s32 $0x4B1200, s0;
	[sflag:s30] =	ssyncpa.u1 $0x0;
	s0 =	sand.u32 $0x10, s29  }
0x8: {  	s7 =	sand.u32 $0x7, s2;
	[dreg:$0x3] =	wrdreg s6;
	s0 =	sor.u32 s2, s0  }
0x9: {  	[sflag:s31] =	ssyncpa.u1 $0x0;
	[dreg:$0x4] =	wrdreg s7;
	s22 =	sshrl.u32 s0, $0x3  }
0xa: {  	s14 =	smov.u32 s7;
	s13 =	smov.u32 s22;
	[dreg:$0x5] =	wrdreg s22  }
.LBB1_9:
0xb: {  	p0 =	sgt.s32 s8, $0x80;
	s3 =	smul.u32 $0xA8000, s12  }
0xc: {  	s0 =	smov.u32 s8;
	s1 =	sshrl.u32 s8, $0x5;
	s27 =	smul.u32 $0xC00, s10  }
0xd: {  	s4 =	sshrl.u32 s8, $0x3;
	s5 =	rddreg [dreg:$0x1];
	s0 =	simm.s32 @!p0 $0x80  }
0xe: {  	s28 =	sand.u32 $0x7, s8;
	s1 =	sand.u32 $0xFFFFFC, s1;
	s0 =	sadd.s32 s19, s0  }
0xf: {  	s29 =	rddreg [dreg:$0x6];
	s26 =	smulhi.u32 $0x2AAAAAB, s1;
	s2 =	sadd.s32 $0xFFFFFF80, s0  }
0x10: {  	s6 =	rddreg [dreg:$0x3];
	s0 =	ssub.s32 $0x100, s0;
	p0 =	sgt.s32 s2, $0x7F  }
0x11: {  	s7 =	rddreg [dreg:$0x4];
	s2 =	smul.u32 $0x60, s26;
	s0 =	simm.s32 @p0 $0x0  }
0x12: {  	s31 =	simm.s32 $0x800;
	s22 =	rddreg [dreg:$0x5];
	s0 =	smul.u32 s0, s18  }
0x13: {  	s4 =	sand.u32 $0xF, s4;
	s3 =	sadd.s32 s5, s3;
	s1 =	ssub.s32 s1, s2  }
0x14: {  	s2 =	sadd.s32 s27, s3;
	s3 =	sshll.u32 s28, $0x12;
	s0 =	smul.u32 $0x60, s0  }
0x15: {  	s1 =	sshll.u32 s1, $0x5;
	s2 =	sadd.s32 s4, s2;
	s4 =	sor.u32 $0x8000, s29  }
0x16: {  	s30 =	sor.u32 $0x400, s3;
	s1 =	sadd.s32 s1, s2;
	s0 =	sand.u32 $0x3FFFFFE0, s0  }
0x17: {  	[hbm4b:s1+s30] =	stream.strided.scatter [tilespmem:s4], [sflag:$0x2], s0, s31, s30, $0x20;
	[tilespmem:$0x10100] =	vst v63  }
.LBB1_10:
0x18: {  	p0 =	slt.u32 s9, $0x2  }
0x19: {  	p1 =	sgt.s32 @!p0 s17, $0x7  }
0x1a: {  	s0 =	smov.u32 s17;
	s1 =	sshra.s32 @!p0 s17, $0x1F;
	p1 =	por !p1, p0  }
0x1b: {  	s2 =	smov.u32 s16;
	s1 =	sand.u32 @!p0 s1, s17;
	s0 =	simm.s32 @p1 $0x7  }
0x1c: {  	s3 =	sshra.s32 @!p0 s16, $0x1F;
	p1 =	sgt.s32 @!p0 s16, $0xDF;
	s0 =	ssub.s32 @!p0 s0, s1  }
0x1d: {  	s4 =	sshra.s32 @!p0 s15, $0x1F;
	p2 =	por !p1, p0;
	s1 =	sadd.s32 @!p0 $0xFFFFFFF9, s0  }
0x1e: {  	s2 =	simm.s32 @p2 $0xDF;
	p1 =	sgt.s32 @!p0 s1, $0x0;
	s1 =	sand.u32 @!p0 s3, s16  }
0x1f: {  	s0 =	ssub.s32 @!p0 $0x8, s0;
	p2 =	sgt.s32 @!p0 s15, $0x80;
	s1 =	ssub.s32 @!p0 s2, s1  }
0x20: {  	p2 =	por !p2, p0;
	s3 =	smov.u32 s15;
	s2 =	sadd.s32 @!p0 $0xFFFFFF21, s1  }
0x21: {  	s3 =	simm.s32 @p2 $0x80;
	p2 =	sgt.s32 @!p0 s2, $0x0;
	s2 =	sand.u32 @!p0 s4, s15  }
0x22: {  	s0 =	smul.u32 @!p0 $0x60, s0;
	p1 =	por !p1, p0;
	s2 =	ssub.s32 @!p0 s3, s2  }
0x23: {  	s1 =	ssub.s32 @!p0 $0xE0, s1;
	p2 =	por !p2, p0;
	s3 =	sadd.s32 @!p0 $0xFFFFFF80, s2  }
0x24: {  	s0 =	simm.s32 @!p1 $0x0;
	s1 =	simm.s32 @!p2 $0x0;
	p2 =	sgt.s32 @!p0 s3, $0x7F  }
0x25: {  	s2 =	ssub.s32 @!p0 $0x100, s2;
	s0 =	smul.u32 @!p0 s1, s0;
	p1 =	por !p2, p0  }
0x26: {  	s1 =	sadd.s32 $0x80, s11;
	s3 =	smov.u32 s13;
	s2 =	simm.s32 @!p1 $0x0  }
0x27: {  	p1 =	sgt.s32 s1, $0xDF;
	s0 =	smul.u32 @!p0 s2, s0;
	s2 =	sadd.s32 $0x4, s13  }
0x28: {  	s3 =	smov.u32 @p1 s2  }
0x29: {  	s5 =	smov.u32 s14;
	s2 =	sadd.s32 $0x8, s14;
	p2 =	sgt.s32 s3, $0xDF  }
0x2a: {  	s9 =	sadd.s32 $0x1, s9;
	s5 =	smov.u32 @p2 s2  }
0x2b: {  	s17 =	smov.u32 s12;
	s1 =	simm.s32 @p1 $0x0;
	p1 =	sgt.s32 s5, $0x7  }
0x2c: {  	s12 =	smov.u32 s14;
	s5 =	smov.u32 @p1 s7;
	p1 =	sne.s32 s9, $0x72  }
.Ltmp1:
0x2d: {  	s16 =	smov.u32 s10;
	s10 =	smov.u32 s13;
	(pc) =	sbr.rel @!p1 .LBB1_11-.Ltmp1, $4  }
0x2e: {  	s4 =	simm.s32 @!p0 $0x2;
	s15 =	smov.u32 s8;
	s0 =	sand.u32 @!p0 $0x3FFFFFE0, s0  }
0x2f: {  	s8 =	smov.u32 s11;
	s11 =	smov.u32 s1;
	_ =	swait.ge @!p0 [sflag:s4], s0  }
0x30: {  	s0 =	ssub.s32 @!p0 $0x0, s0;
	s3 =	smov.u32 @p2 s22;
	[sflag:s4] =	ssyncset.done @!p0 $0x0  }
0x31: {  	s13 =	smov.u32 s3;
	[sflag:s4] =	ssyncadd.s32 @!p0 s0;
	s14 =	smov.u32 s5  }
.LBB1_1:
0x32: {  	p0 =	sgt.u32 s9, $0x6F;
	s18 =	smov.u32 s14  }
0x33: {  	s0 =	sand.u32 @!p0 $0x1FFFFFF, s11;
	p1 =	sgt.s32 @!p0 s14, $0x7;
	s19 =	sshra.s32 @!p0 s14, $0x1F  }
0x34: {  	s20 =	sshra.s32 @!p0 s13, $0x1F;
	s1 =	smulhi.u32 @!p0 $0x2492493, s0;
	p1 =	por !p1, p0  }
0x35: {  	s19 =	sand.u32 @!p0 s19, s14;
	s20 =	sand.u32 @!p0 s20, s13;
	s18 =	simm.s32 @p1 $0x7  }
0x36: {  	p1 =	sgt.s32 @!p0 s13, $0xDF;
	s1 =	sshrl.u32 @!p0 s1, $0x1;
	s18 =	ssub.s32 @!p0 s18, s19  }
0x37: {  	p1 =	por !p1, p0;
	s19 =	smov.u32 s13;
	s1 =	smul.u32 @!p0 $0xE0, s1  }
0x38: {  	s19 =	simm.s32 @p1 $0xDF;
	p1 =	sgt.s32 @!p0 s11, $0x60;
	s18 =	sadd.s32 @!p0 $0xFFFFFFF9, s18  }
0x39: {  	s19 =	ssub.s32 @!p0 s19, s20;
	p1 =	por !p1, p0;
	s20 =	smov.u32 s11  }
0x3a: {  	p2 =	sgt.s32 @!p0 s18, $0x0;
	s18 =	sshll.u32 @!p0 s18, $0x7;
	s21 =	sadd.s32 @!p0 $0xFFFFFF21, s19  }
0x3b: {  	s20 =	simm.s32 @p1 $0x60;
	p1 =	sgt.s32 @!p0 s21, $0x0;
	s21 =	sshra.s32 @!p0 s11, $0x1F  }
0x3c: {  	s19 =	ssub.s32 @!p0 $0xE0, s19;
	s18 =	ssub.s32 @!p0 $0x80, s18;
	s21 =	sand.u32 @!p0 s21, s11  }
0x3d: {  	p2 =	por !p2, p0;
	p1 =	por !p1, p0;
	s20 =	ssub.s32 @!p0 s20, s21  }
0x3e: {  	s18 =	simm.s32 @!p2 $0x0;
	s19 =	simm.s32 @!p1 $0x0;
	s21 =	sadd.s32 @!p0 $0xFFFFFFA0, s20  }
0x3f: {  	s0 =	ssub.s32 @!p0 s0, s1;
	s18 =	smul.u32 @!p0 s19, s18;
	p1 =	sgt.s32 @!p0 s21, $0x7F  }
0x40: {  	s19 =	ssub.s32 @!p0 $0xE0, s20;
	s20 =	smul.u32 @!p0 $0xC4000, s14;
	p1 =	por !p1, p0  }
0x41: {  	s1 =	smul.u32 @!p0 $0xE00, s13;
	s21 =	sxor.u32 @!p0 $0xFFFFFFFF, s9;
	s19 =	simm.s32 @!p1 $0x0  }
0x42: {  	s21 =	sshll.u32 @!p0 s21, $0xE;
	s18 =	smul.u32 @!p0 s19, s18;
	s19 =	sadd.s32 @!p0 s6, s20  }
0x43: {  	s0 =	sshll.u32 @!p0 s0, $0x4;
	s20 =	sand.u32 @!p0 $0x4000, s21;
	s1 =	sadd.s32 @!p0 s1, s19  }
0x44: {  	s18 =	sand.u32 @!p0 $0x3FFFFF80, s18;
	s0 =	sadd.s32 @!p0 s0, s1;
	s1 =	simm.s32 @!p0 $0x0  }
0x45: {  	[tilespmem:s20], [sflag:$0x1] =	stream.linear.gather @!p0 [hbm4b:s0+s1], s18, $0x38;
	[tilespmem:$0x10100] =	vst v63  }
0x46: {  	p0 =	seq.s32 s9, $0x0  }
0x47: {  	p1 =	seq.s32 @!p0 s9, $0x71  }
0x48: {  	p0 =	por p0, p1  }
.Ltmp2:
0x49: {  	_ = 	snop;
	(pc) =	sbr.rel @p0 .LBB1_10-.Ltmp2, $1  }
0x4a: {  	_ =	sdelay $0x3  }
0x4b: {  	p0 =	sgt.s32 s12, $0x7;
	s0 =	smov.u32 s12;
	s1 =	sshra.s32 s12, $0x1F  }
0x4c: {  	s18 =	sshra.s32 s10, $0x1F;
	s26 =	ssub.s32 $0x0, s8;
	s27 =	sshra.s32 s8, $0x1F  }
0x4d: {  	p1 =	sgt.s32 s8, $0x60;
	s20 =	smov.u32 s8;
	s0 =	simm.s32 @!p0 $0x7  }
0x4e: {  	s1 =	sand.u32 s1, s12;
	p0 =	sgt.s32 s10, $0xDF;
	s18 =	sand.u32 s18, s10  }
0x4f: {  	s20 =	simm.s32 @!p1 $0x60;
	s0 =	ssub.s32 s0, s1;
	s1 =	smov.u32 s10  }
0x50: {  	s19 =	sadd.s32 $0xFFFFFFF9, s0;
	s1 =	simm.s32 @!p0 $0xDF;
	s0 =	ssub.s32 $0x8, s0  }
0x51: {  	p0 =	sgt.s32 s19, $0x0;
	s1 =	ssub.s32 s1, s18;
	s19 =	sand.u32 s26, s27  }
0x52: {  	s21 =	sadd.s32 $0xFFFFFF21, s1;
	s1 =	ssub.s32 $0xE0, s1;
	s18 =	sadd.s32 s19, s20  }
0x53: {  	s0 =	simm.s32 @p0 $0x0;
	p1 =	sgt.s32 s21, $0x0;
	s20 =	sadd.s32 $0xFFFFFFA0, s18  }
0x54: {  	s1 =	simm.s32 @p1 $0x0;
	s28 =	sshll.u32 s20, $0x7;
	p0 =	sgt.s32 s20, $0x7F  }
0x55: {  	s18 =	smul.u32 s0, s1;
	s0 =	ssub.s32 $0x4000, s28;
	s1 =	sadd.s32 $0x1, s12  }
0x56: {  	s20 =	sadd.s32 $0x1, s10;
	s0 =	simm.s32 @p0 $0x0;
	p0 =	slt.s32 s1, $0x8  }
0x57: {  	s1 =	simm.s32 @!p0 $0x8;
	p0 =	slt.s32 s20, $0xE0  }
0x58: {  	s21 =	ssub.s32 s1, s12;
	s20 =	simm.s32 @!p0 $0xE0;
	s1 =	sadd.s32 $0x80, s8  }
0x59: {  	s22 =	ssub.s32 s20, s10;
	p1 =	slt.s32 s1, $0xE0;
	p0 =	slt.s32 s21, $0x1  }
0x5a: {  	s1 =	simm.s32 @!p1 $0xE0;
	p1 =	slt.s32 @!p0 s22, $0x1  }
0x5b: {  	s23 =	ssub.s32 s1, s8;
	p1 =	por p0, p1  }
0x5c: {  	p2 =	slt.s32 @!p1 s23, $0x1  }
0x5d: {  	s0 =	smul.u32 s18, s0;
	p1 =	por p1, p2  }
.Ltmp3:
0x5e: {  	_ = 	snop;
	(pc) =	sbr.rel @p1 .LBB1_9-.Ltmp3, $4  }
0x5f: {  	s2 =	simm.s32 $0x1;
	s29 =	sand.u32 $0x3FFFFF80, s0;
	s0 =	sand.u32 $0x1, s9  }
0x60: {  	_ =	swait.ge [sflag:s2], s29;
	s31 =	smul.u32 $0x4080, s0  }
0x61: {  	s30 =	ssub.s32 $0x0, s29;
	[sflag:s2] =	ssyncset.done $0x0  }
0x62: {  	[sflag:s2] =	ssyncadd.s32 s30;
	[dreg:$0x6] =	wrdreg s31  }
0x63: {  	s24 =	sshll.u32 @!p0 s0, $0xE;
	s0 =	rddreg [dreg:$0x6]  }
0x64: {  	s26 =	simm.s32 $0x0;
	s25 =	sor.u32 @!p0 $0x8000, s0  }
.LBB1_4:
0x65: {  	s27 =	simm.s32 $0x0  }
.LBB1_5:
0x66: {  	s0 =	sadd.s32 s26, s27  }
0x67: {  	s1 =	sshll.u32 s0, $0x10  }
0x68: {  	s1 =	sshra.s32 s1, $0x2  }
0x69: {  	s1 =	sadd.s32 s1, s24  }
0x6a: {  	s29 =	simm.s32 $0x0;
	s7 =	simm.s32 $0x0;
	s0 =	smul.u32 $0x10200, s0;
	v0 =	vmov s1  }
0x6b: {  	s31 =	simm.s32 $0x10;
	s4 =	simm.s32 $0x30;
	s3 =	simm.s32 $0x50  }
0x6c: {  	s31 =	sand.u32 $0x78, s31;
	s4 =	sand.u32 $0x78, s4;
	s0 =	sshra.s32 s0, $0x2  }
0x6d: {  	s31 =	smul.u32 $0x204, s31;
	s28 =	sadd.s32 s0, s25;
	s0 =	sand.u32 $0x78, s7  }
0x6e: {  	s4 =	smul.u32 $0x204, s4;
	s1 =	sand.u32 $0x3F80, s29;
	s2 =	sxor.u32 $0x40, s0  }
0x6f: {  	s30 =	simm.s32 $0x1;
	s3 =	sand.u32 $0x78, s3;
	s2 =	smul.u32 $0x204, s2;
	v1 =	vld.idx.msk [tilespmem:v0+s1+$0x40 ss:$0x1], $0xffff  }
0x70: {  	p0 =	sne.s32 s23, $0x1;
	s5 =	sand.u32 $0x7F, s29;
	s3 =	smul.u32 $0x204, s3  }
0x71: {  	s7 =	simm.s32 $0x20;
	s0 =	smul.u32 $0x204, s0;
	s2 =	sshrl.u32 s2, $0x2;
	v2 =	vld.idx.msk [tilespmem:v0+s1+$0x0 ss:$0x1], $0xffff  }
0x72: {  	s31 =	sshrl.u32 s31, $0x2;
	s7 =	sand.u32 $0x78, s7;
	v3 =	vld.idx.msk [tilespmem:v0+s1+$0x10 ss:$0x1], $0xffff;
	s2 =	sadd.s32 s2, s28  }
0x73: {  	s7 =	smul.u32 $0x204, s7;
	s0 =	sshrl.u32 s0, $0x2;
	v4 =	vld.idx.msk [tilespmem:v0+s1+$0x20 ss:$0x1], $0xffff;
	s2 =	sadd.s32 s5, s2  }
.Ltmp4:
0x74: {  	s4 =	sshrl.u32 s4, $0x2;
	s0 =	sadd.s32 s0, s28;
	[tilespmem:s2+$0x0 ss:$0x81] =	vst.msk $0xffff, v1;
	v1 =	vld.idx.msk [tilespmem:v0+s1+$0x30 ss:$0x1], $0xffff;
	(pc) =	sbr.rel @!p0 .LBB1_7-.Ltmp4, $4  }
0x75: {  	s20 =	sadd.s32 s31, s28;
	s7 =	sshrl.u32 s7, $0x2;
	s0 =	sadd.s32 s5, s0  }
0x76: {  	s3 =	sshrl.u32 s3, $0x2;
	s7 =	sadd.s32 s7, s28;
	[tilespmem:s0+$0x0 ss:$0x81] =	vst.msk $0xffff, v2;
	s2 =	sadd.s32 s5, s20;
	v2 =	vld.idx.msk [tilespmem:v0+s1+$0x50 ss:$0x1], $0xffff  }
0x77: {  	s6 =	sadd.s32 s4, s28;
	s20 =	sadd.s32 s5, s7;
	[tilespmem:s2+$0x0 ss:$0x81] =	vst.msk $0xffff, v3;
	s2 =	sadd.s32 s3, s28  }
0x78: {  	s31 =	simm.s32 $0x2808;
	s1 =	sadd.s32 s5, s6;
	[tilespmem:s20+$0x0 ss:$0x81] =	vst.msk $0xffff, v4;
	s0 =	sadd.s32 s5, s2  }
.LBB1_6:
0x79: {  	s2 =	sadd.s32 $0xFFFFD800, s31;
	s3 =	sadd.s32 $0xFFFFE000, s31;
	[tilespmem:s1+$0x0 ss:$0x81] =	vst.msk $0xffff, v1;
	s1 =	smov.u32 s30  }
0x7a: {  	s30 =	sadd.s32 $0x1, s30;
	s29 =	sadd.s32 $0x80, s29;
	s4 =	sadd.s32 $0xFFFFE800, s31  }
0x7b: {  	s5 =	sadd.s32 $0xFFFFF000, s31;
	s2 =	sshrl.u32 s2, $0x7;
	p0 =	sne.s32 s23, s30;
	[tilespmem:s0+$0x0 ss:$0x81] =	vst.msk $0xffff, v2  }
0x7c: {  	s6 =	sshrl.u32 s31, $0x7;
	s0 =	sand.u32 $0x3F80, s29;
	s2 =	sand.u32 $0x78, s2  }
0x7d: {  	s3 =	sshrl.u32 s3, $0x7;
	s4 =	sshrl.u32 s4, $0x7;
	v3 =	vld.idx.msk [tilespmem:v0+s0+$0x40 ss:$0x1], $0xffff;
	s7 =	sxor.u32 $0x40, s2  }
0x7e: {  	s5 =	sshrl.u32 s5, $0x7;
	s6 =	sand.u32 $0x78, s6;
	v4 =	vld.idx.msk [tilespmem:v0+s0+$0x0 ss:$0x1], $0xffff;
	s7 =	smul.u32 $0x204, s7  }
0x7f: {  	s20 =	sand.u32 $0x7F, s1;
	s3 =	sand.u32 $0x78, s3;
	s4 =	sand.u32 $0x78, s4;
	v5 =	vld.idx.msk [tilespmem:v0+s0+$0x10 ss:$0x1], $0xffff  }
0x80: {  	s5 =	sand.u32 $0x78, s5;
	s1 =	smul.u32 $0x204, s2;
	v6 =	vld.idx.msk [tilespmem:v0+s0+$0x20 ss:$0x1], $0xffff;
	s7 =	sshrl.u32 s7, $0x2  }
0x81: {  	s3 =	smul.u32 $0x204, s3;
	v1 =	vld.idx.msk [tilespmem:v0+s0+$0x30 ss:$0x1], $0xffff;
	s2 =	sadd.s32 s7, s28  }
0x82: {  	s2 =	sadd.s32 s20, s2;
	v2 =	vld.idx.msk [tilespmem:v0+s0+$0x50 ss:$0x1], $0xffff;
	s0 =	sshrl.u32 s1, $0x2;
	s1 =	smul.u32 $0x204, s4  }
0x83: {  	s4 =	smul.u32 $0x204, s6;
	[tilespmem:s2+$0x0 ss:$0x81] =	vst.msk $0xffff, v3  }
0x84: {  	s0 =	sadd.s32 s0, s28;
	s2 =	sshrl.u32 s3, $0x2;
	s3 =	smul.u32 $0x204, s5  }
.Ltmp5:
0x85: {  	s2 =	sadd.s32 s2, s28;
	s1 =	sshrl.u32 s1, $0x2;
	(pc) =	sbr.rel @p0 .LBB1_6-.Ltmp5, $4  }
0x86: {  	s0 =	sadd.s32 s20, s0;
	s1 =	sadd.s32 s1, s28;
	s3 =	sshrl.u32 s3, $0x2  }
0x87: {  	[tilespmem:s0+$0x0 ss:$0x81] =	vst.msk $0xffff, v4;
	s0 =	sadd.s32 s20, s2;
	s2 =	sadd.s32 s3, s28;
	s3 =	sshrl.u32 s4, $0x2  }
0x88: {  	[tilespmem:s0+$0x0 ss:$0x81] =	vst.msk $0xffff, v5;
	s0 =	sadd.s32 s20, s1;
	s1 =	sadd.s32 s20, s2;
	s2 =	sadd.s32 s3, s28  }
0x89: {  	s31 =	sadd.s32 $0x8, s31;
	[tilespmem:s0+$0x0 ss:$0x81] =	vst.msk $0xffff, v6;
	s0 =	sadd.s32 s20, s2  }
.LBB1_7:
0x8a: {  	s27 =	sadd.s32 $0x1, s27  }
0x8b: {  	p0 =	sne.s32 s27, s22  }
.Ltmp6:
0x8c: {  	_ = 	snop;
	(pc) =	sbr.rel @p0 .LBB1_5-.Ltmp6, $3  }
0x8d: {  	_ =	sdelay $0x1  }
0x8e: {  	[tilespmem:s1+$0x0 ss:$0x81] =	vst.msk $0xffff, v1  }
0x8f: {  	[tilespmem:s0+$0x0 ss:$0x81] =	vst.msk $0xffff, v2  }
0x90: {  	s26 =	sadd.s32 $0x1, s26  }
0x91: {  	p0 =	sne.s32 s26, s21  }
.Ltmp7:
0x92: {  	_ = 	snop;
	(pc) =	sbr.rel @p0 .LBB1_4-.Ltmp7, $4  }
.Ltmp8:
0x93: {  	_ = 	snop;
	(pc) =	sbr.rel @!p0 .LBB1_9-.Ltmp8, $4  }
0x94: {  	_ = 	snop  }
0x95: {  	_ = 	snop  }
0x96: {  	_ = 	snop  }
0x97: {  	_ = 	snop  }
.LBB1_11:
0x98: {  	_ =	sfence.sel $0x180000  }
0x99: {  	s0 =	simm.s32 $0x1;
	[bflag:$0x0] =	sbarrier.arrive $0xFFFF  }
0x9a: {  	s30 =	simm.s32 $0x2;
	[sflag:s0] =	ssyncpa.u1 $0x1  }
0x9b: {  	[sflag:s30] =	ssyncpa.u1 $0x1  }
0x9c: {  	_ =	strace $0x9000004A  }
0x9d: {  	s31 =	stileid.u32;
	[bflag:$0x2] =	sbarrier.arrive $0xFFFF  }
0x9e: {  	p0 =	sne.s32 s31, $0x0;
	s0 =	rddreg [dreg:$0x2]  }
0x9f: {  	s0 =	sadd.s32 @!p0 $0x100000, s0  }
0xa0: {  	[sflag:s0] =	ssyncadd.tile.s32 @!p0 $0x1;
	_ =	shalt  }
.Lfunc_end1:
_tile_overlayer_lowered:
.L_overlay_start_2:
0xa1: {  	(tag) =	ssettag $0x2  }
0xa2: {  	s0 =	rddreg [dreg:$0x0];
	s2 =	stileid.u32  }
0xa3: {  	s1 =	rddreg [dreg:$0x1];
	p0 =	sne.s32 s2, $0x0  }
0xa4: {  	s3 =	rddreg [dreg:$0x2];
	[bflag:$0x3] =	sbarrier.arrive $0xFFFF;
	s2 =	simm.s32 @!p0 $0x1C01  }
0xa5: {  	[timem:s3], [sflag:s2] =	dma.local @!p0 [hbm:s0], s1  }
0xa6: {  	s0 =	simm.s32 @!p0 $0x1  }
0xa7: {  	_ =	swait.ge @!p0 [sflag:s0], s1  }
0xa8: {  	s1 =	ssub.s32 @!p0 $0x0, s1;
	[sflag:s0] =	ssyncset.done @!p0 $0x0  }
0xa9: {  	[sflag:s0] =	ssyncadd.s32 @!p0 s1  }
0xaa: {  	[bflag:$0x3] =	sbarrier.arrive $0xFFFF  }
0xab: {  	_ =	shalt  }

</sc_bundles>
